<compile_context>
chip_gen: v7x
topology: tpu7x:2x2x1
jax: 0.10.2.dev20260603
libtpu: 0.0.44.dev20260713+nightly
codegen_flags: <defaults>
</compile_context>

<pallas_src>
import jax
import jax.numpy as jnp
from jax import lax
from jax.experimental import pallas as pl
from jax.experimental.pallas import tpu as pltpu
from jax.experimental.pallas import tpu_sc as plsc

N_NODES = 10000
N_EDGES = 320000
D = 128
NUM_EDGE_TYPE = 64

NC = 2
NS = 16
NW = NC * NS
EW = N_EDGES // NW
C = 80
NCH = EW // C
LANES = 16
VPD = D // LANES
QCH = 25
QW = QCH * C


def _body(isrc_hbm, idst_hbm, iet_hbm, x_hbm, w_hbm, out_hbm,
          isrc_v, idst_v, iet_v, w_v, srcb, dstb, outb, sem0, sem1, sem2):
    cid = lax.axis_index("c")
    sid = lax.axis_index("s")
    wid = sid * NC + cid

    pltpu.sync_copy(w_hbm, w_v)
    pltpu.sync_copy(isrc_hbm.at[wid], isrc_v)
    pltpu.sync_copy(idst_hbm.at[wid], idst_v)
    pltpu.sync_copy(iet_hbm.at[pl.ds(wid * EW, EW + LANES)], iet_v)

    sems = (sem0, sem1, sem2)

    def fire(i, b):
        pltpu.async_copy(x_hbm.at[isrc_v.at[i]], srcb.at[b], sems[b])
        pltpu.async_copy(x_hbm.at[idst_v.at[i]], dstb.at[b], sems[b])

    def wait(i, b):
        pltpu.make_async_copy(x_hbm.at[isrc_v.at[i]], srcb.at[b], sems[b]).wait()
        pltpu.make_async_copy(x_hbm.at[idst_v.at[i]], dstb.at[b], sems[b]).wait()

    lane = lax.iota(jnp.int32, LANES)
    mask_last = lane == (LANES - 1)
    zero16 = jnp.zeros((LANES,), jnp.int32)
    offs = [lane + j * LANES for j in range(VPD)]

    def compute(i, b):
        base = i * C

        @plsc.parallel_loop(0, C, 1, unroll=4)
        def _(e):
            et_sl = iet_v[pl.ds(base + e, LANES)]
            et_b = et_sl.at[zero16].get(mode="promise_in_bounds")
            acc = [None, None]
            for j in range(VPD):
                sv = srcb[b, e, pl.ds(j * LANES, LANES)]
                dv = dstb[b, e, pl.ds(j * LANES, LANES)]
                wv = plsc.load_gather(w_v, [et_b, offs[j]])
                t = (sv * dv) * wv
                p = j % 2
                acc[p] = t if acc[p] is None else acc[p] + t
            cs = plsc.cumsum(acc[0] + acc[1])
            plsc.store_compressed(outb.at[pl.ds(base + e, LANES)], cs,
                                  mask=mask_last)

    fire(0, 0)
    fire(1, 1)
    fire(2, 2)

    NB = 3

    def stage(k, carry):
        i0 = k * NB
        for b in range(NB):
            i = i0 + b

            @pl.when(i < NCH)
            def _():
                wait(i, b)
                compute(i, b)

                @pl.when(i + NB < NCH)
                def _():
                    fire(i + NB, b)
        return carry

    lax.fori_loop(0, (NCH + NB - 1) // NB, stage, 0)

    @plsc.parallel_loop(0, EW // LANES, 1, unroll=8)
    def _(k):
        v = outb[pl.ds(k * LANES, LANES)]
        outb[pl.ds(k * LANES, LANES)] = 1.0 / (1.0 + jnp.exp(-v))

    pltpu.sync_copy(outb.at[pl.ds(0, EW)], out_hbm.at[pl.ds(wid * EW, EW)])


@jax.jit
def kernel(x, edge_index, edge_type, weight):
    ei = edge_index.astype(jnp.int32)
    isrc = ei[0].reshape(NW, NCH, C)
    idst = ei[1].reshape(NW, NCH, C)
    iet = jnp.concatenate(
        [edge_type.astype(jnp.int32), jnp.zeros((LANES,), jnp.int32)])

    run = pl.kernel(
        _body,
        out_type=jax.ShapeDtypeStruct((N_EDGES,), jnp.float32),
        mesh=plsc.VectorSubcoreMesh(core_axis_name="c", subcore_axis_name="s"),
        compiler_params=pltpu.CompilerParams(needs_layout_passes=False),
        scratch_types=[
            pltpu.VMEM((NCH, C), jnp.int32),
            pltpu.VMEM((NCH, C), jnp.int32),
            pltpu.VMEM((EW + LANES,), jnp.int32),
            pltpu.VMEM((NUM_EDGE_TYPE, D), jnp.float32),
            pltpu.VMEM((3, C, D), jnp.float32),
            pltpu.VMEM((3, C, D), jnp.float32),
            pltpu.VMEM((EW + LANES,), jnp.float32),
            pltpu.SemaphoreType.DMA,
            pltpu.SemaphoreType.DMA,
            pltpu.SemaphoreType.DMA,
        ],
    )
    return run(isrc, idst, iet, x, weight)

# --- scband reference (transcript-rebuilt; emitter-appended) ---
"""Pipeline reference for scband-multi-rela-inner-product-decoder-6811818131642 (READ-ONLY COPY).

The authoritative reference and input builder live on the scoring server;
editing this copy changes nothing except your own understanding.
"""

import jax, jax.numpy as jnp
import numpy as np

N_NODES = 10000
N_EDGES = 320000
D = 128
NUM_EDGE_TYPE = 64


def setup_inputs(seed: int = 0) -> dict:
    key = jax.random.key(seed)
    k_x, k_ei, k_et, k_w = jax.random.split(key, 4)
    x = jax.random.normal(k_x, (N_NODES, D), dtype=jnp.float32)
    edge_index = jax.random.randint(k_ei, (2, N_EDGES), 0, N_NODES, dtype=jnp.int64)
    edge_type = jax.random.randint(k_et, (N_EDGES,), 0, NUM_EDGE_TYPE, dtype=jnp.int64)
    # learned DistMult relation weights, init std = 1/sqrt(in_channels)
    weight = jax.random.normal(k_w, (NUM_EDGE_TYPE, D), dtype=jnp.float32) * (1.0 / np.sqrt(D))
    return {"x": x, "edge_index": edge_index, "edge_type": edge_type, "weight": weight}


def reference(x, edge_index, edge_type, weight):
    # DistMult: score(s, r, d) = sum_i x_s[i] * x_d[i] * w_r[i]
    src = jnp.take(x, edge_index[0], axis=0)          # [E, D] gather
    dst = jnp.take(x, edge_index[1], axis=0)          # [E, D] gather
    rel = jnp.take(weight, edge_type, axis=0)         # [E, D] gather
    value = jnp.sum(src * dst * rel, axis=1)          # [E]
    return jax.nn.sigmoid(value)

if __name__ == "__main__":
    import jax
    _d = setup_inputs()
    print(jax.jit(kernel)(*tuple(_d.values())))

</pallas_src>

<mosaic_0001>
#map = affine_map<(d0, d1) -> (0, 0, 0)>
#map1 = affine_map<(d0, d1) -> (0)>
#map2 = affine_map<(d0, d1) -> (0, 0)>
module attributes {stable_mosaic.version = 14 : i64} {
  func.func @_body(%arg0: i32, %arg1: i32, %arg2: memref<32x125x80xi32, #tpu.memory_space<hbm>>, %arg3: memref<32x125x80xi32, #tpu.memory_space<hbm>>, %arg4: memref<320016xi32, #tpu.memory_space<hbm>>, %arg5: memref<10000x128xf32, #tpu.memory_space<hbm>>, %arg6: memref<64x128xf32, #tpu.memory_space<hbm>>, %arg7: memref<320000xf32, #tpu.memory_space<hbm>>, %arg8: memref<125x80xi32, #tpu.memory_space<vmem>>, %arg9: memref<125x80xi32, #tpu.memory_space<vmem>>, %arg10: memref<10016xi32, #tpu.memory_space<vmem>>, %arg11: memref<64x128xf32, #tpu.memory_space<vmem>>, %arg12: memref<3x80x128xf32, #tpu.memory_space<vmem>>, %arg13: memref<3x80x128xf32, #tpu.memory_space<vmem>>, %arg14: memref<10016xf32, #tpu.memory_space<vmem>>, %arg15: memref<!tpu.dma_semaphore, #tpu.memory_space<semaphore_mem>>, %arg16: memref<!tpu.dma_semaphore, #tpu.memory_space<semaphore_mem>>, %arg17: memref<!tpu.dma_semaphore, #tpu.memory_space<semaphore_mem>>) attributes {dimension_semantics = [#tpu.dimension_semantics<core_parallel>, #tpu.dimension_semantics<subcore_parallel>], iteration_bounds = array<i64: 2, 16>, scalar_prefetch = 0 : i64, scratch_operands = 10 : i64, tpu.core_type = #tpu.core_type<sc_vector_subcore>, window_params = [{transform_indices = #map}, {transform_indices = #map}, {transform_indices = #map1}, {transform_indices = #map2}, {transform_indices = #map2}, {transform_indices = #map1}]} {
    %mul3A = arith.constant 2 : i32
    %mul3A_0 = arith.muli %arg1, %mul3A : i32
    %add3A = arith.addi %mul3A_0, %arg0 : i32
    "tpu.region"() ({
      %run_scoped3A = tpu.sem_alloc : memref<!tpu.dma_semaphore, #tpu.memory_space<semaphore_mem>>
      tpu.enqueue_dma source(%arg6 : memref<64x128xf32, #tpu.memory_space<hbm>>) target(%arg11 : memref<64x128xf32, #tpu.memory_space<vmem>>) target_semaphore(%run_scoped3A : memref<!tpu.dma_semaphore, #tpu.memory_space<semaphore_mem>>)
      tpu.wait_dma2 semaphore(%run_scoped3A : memref<!tpu.dma_semaphore, #tpu.memory_space<semaphore_mem>>) src(%arg6 : memref<64x128xf32, #tpu.memory_space<hbm>>) dst(%arg11 : memref<64x128xf32, #tpu.memory_space<vmem>>)
      tpu.yield
    }) : () -> ()
    "tpu.region"() ({
      %run_scoped3A = tpu.sem_alloc : memref<!tpu.dma_semaphore, #tpu.memory_space<semaphore_mem>>
      %dma_start3A_110 = arith.constant 0 : i32
      %dma_start3A_111 = arith.constant 0 : i32
      %dma_start3A_112 = tpu.memref_slice %arg2[%add3A, %dma_start3A_110, %dma_start3A_111] : memref<32x125x80xi32, #tpu.memory_space<hbm>> -> memref<1x125x80xi32, #tpu.memory_space<hbm>>
      %dma_start3A_113 = tpu.memref_squeeze %dma_start3A_112 : memref<1x125x80xi32, #tpu.memory_space<hbm>> -> memref<125x80xi32, #tpu.memory_space<hbm>>
      %dma_start3A_114 = arith.constant 0 : i32
      %dma_start3A_115 = arith.constant 0 : i32
      %dma_start3A_116 = tpu.memref_slice %arg2[%add3A, %dma_start3A_114, %dma_start3A_115] : memref<32x125x80xi32, #tpu.memory_space<hbm>> -> memref<1x125x80xi32, #tpu.memory_space<hbm>>
      %dma_start3A_117 = tpu.memref_squeeze %dma_start3A_116 : memref<1x125x80xi32, #tpu.memory_space<hbm>> -> memref<125x80xi32, #tpu.memory_space<hbm>>
      tpu.enqueue_dma source(%dma_start3A_117 : memref<125x80xi32, #tpu.memory_space<hbm>>) target(%arg8 : memref<125x80xi32, #tpu.memory_space<vmem>>) target_semaphore(%run_scoped3A : memref<!tpu.dma_semaphore, #tpu.memory_space<semaphore_mem>>)
      %dma_wait3A = arith.constant 0 : i32
      %dma_wait3A_118 = arith.constant 0 : i32
      %dma_wait3A_119 = tpu.memref_slice %arg2[%add3A, %dma_wait3A, %dma_wait3A_118] : memref<32x125x80xi32, #tpu.memory_space<hbm>> -> memref<1x125x80xi32, #tpu.memory_space<hbm>>
      %dma_wait3A_120 = tpu.memref_squeeze %dma_wait3A_119 : memref<1x125x80xi32, #tpu.memory_space<hbm>> -> memref<125x80xi32, #tpu.memory_space<hbm>>
      %dma_wait3A_121 = arith.constant 0 : i32
      %dma_wait3A_122 = arith.constant 0 : i32
      %dma_wait3A_123 = tpu.memref_slice %arg2[%add3A, %dma_wait3A_121, %dma_wait3A_122] : memref<32x125x80xi32, #tpu.memory_space<hbm>> -> memref<1x125x80xi32, #tpu.memory_space<hbm>>
      %dma_wait3A_124 = tpu.memref_squeeze %dma_wait3A_123 : memref<1x125x80xi32, #tpu.memory_space<hbm>> -> memref<125x80xi32, #tpu.memory_space<hbm>>
      tpu.wait_dma2 semaphore(%run_scoped3A : memref<!tpu.dma_semaphore, #tpu.memory_space<semaphore_mem>>) src(%dma_wait3A_124 : memref<125x80xi32, #tpu.memory_space<hbm>>) dst(%arg8 : memref<125x80xi32, #tpu.memory_space<vmem>>)
      tpu.yield
    }) : () -> ()
    "tpu.region"() ({
      %run_scoped3A = tpu.sem_alloc : memref<!tpu.dma_semaphore, #tpu.memory_space<semaphore_mem>>
      %dma_start3A_110 = arith.constant 0 : i32
      %dma_start3A_111 = arith.constant 0 : i32
      %dma_start3A_112 = tpu.memref_slice %arg3[%add3A, %dma_start3A_110, %dma_start3A_111] : memref<32x125x80xi32, #tpu.memory_space<hbm>> -> memref<1x125x80xi32, #tpu.memory_space<hbm>>
      %dma_start3A_113 = tpu.memref_squeeze %dma_start3A_112 : memref<1x125x80xi32, #tpu.memory_space<hbm>> -> memref<125x80xi32, #tpu.memory_space<hbm>>
      %dma_start3A_114 = arith.constant 0 : i32
      %dma_start3A_115 = arith.constant 0 : i32
      %dma_start3A_116 = tpu.memref_slice %arg3[%add3A, %dma_start3A_114, %dma_start3A_115] : memref<32x125x80xi32, #tpu.memory_space<hbm>> -> memref<1x125x80xi32, #tpu.memory_space<hbm>>
      %dma_start3A_117 = tpu.memref_squeeze %dma_start3A_116 : memref<1x125x80xi32, #tpu.memory_space<hbm>> -> memref<125x80xi32, #tpu.memory_space<hbm>>
      tpu.enqueue_dma source(%dma_start3A_117 : memref<125x80xi32, #tpu.memory_space<hbm>>) target(%arg9 : memref<125x80xi32, #tpu.memory_space<vmem>>) target_semaphore(%run_scoped3A : memref<!tpu.dma_semaphore, #tpu.memory_space<semaphore_mem>>)
      %dma_wait3A = arith.constant 0 : i32
      %dma_wait3A_118 = arith.constant 0 : i32
      %dma_wait3A_119 = tpu.memref_slice %arg3[%add3A, %dma_wait3A, %dma_wait3A_118] : memref<32x125x80xi32, #tpu.memory_space<hbm>> -> memref<1x125x80xi32, #tpu.memory_space<hbm>>
      %dma_wait3A_120 = tpu.memref_squeeze %dma_wait3A_119 : memref<1x125x80xi32, #tpu.memory_space<hbm>> -> memref<125x80xi32, #tpu.memory_space<hbm>>
      %dma_wait3A_121 = arith.constant 0 : i32
      %dma_wait3A_122 = arith.constant 0 : i32
      %dma_wait3A_123 = tpu.memref_slice %arg3[%add3A, %dma_wait3A_121, %dma_wait3A_122] : memref<32x125x80xi32, #tpu.memory_space<hbm>> -> memref<1x125x80xi32, #tpu.memory_space<hbm>>
      %dma_wait3A_124 = tpu.memref_squeeze %dma_wait3A_123 : memref<1x125x80xi32, #tpu.memory_space<hbm>> -> memref<125x80xi32, #tpu.memory_space<hbm>>
      tpu.wait_dma2 semaphore(%run_scoped3A : memref<!tpu.dma_semaphore, #tpu.memory_space<semaphore_mem>>) src(%dma_wait3A_124 : memref<125x80xi32, #tpu.memory_space<hbm>>) dst(%arg9 : memref<125x80xi32, #tpu.memory_space<vmem>>)
      tpu.yield
    }) : () -> ()
    %mul3A_1 = arith.constant 10000 : i32
    %mul3A_2 = arith.muli %add3A, %mul3A_1 : i32
    "tpu.region"() ({
      %run_scoped3A = tpu.sem_alloc : memref<!tpu.dma_semaphore, #tpu.memory_space<semaphore_mem>>
      %dma_start3A_110 = tpu.memref_slice %arg4[%mul3A_2] : memref<320016xi32, #tpu.memory_space<hbm>> -> memref<10016xi32, #tpu.memory_space<hbm>>
      %dma_start3A_111 = tpu.memref_slice %arg4[%mul3A_2] : memref<320016xi32, #tpu.memory_space<hbm>> -> memref<10016xi32, #tpu.memory_space<hbm>>
      tpu.enqueue_dma source(%dma_start3A_111 : memref<10016xi32, #tpu.memory_space<hbm>>) target(%arg10 : memref<10016xi32, #tpu.memory_space<vmem>>) target_semaphore(%run_scoped3A : memref<!tpu.dma_semaphore, #tpu.memory_space<semaphore_mem>>)
      %dma_wait3A = tpu.memref_slice %arg4[%mul3A_2] : memref<320016xi32, #tpu.memory_space<hbm>> -> memref<10016xi32, #tpu.memory_space<hbm>>
      %dma_wait3A_112 = tpu.memref_slice %arg4[%mul3A_2] : memref<320016xi32, #tpu.memory_space<hbm>> -> memref<10016xi32, #tpu.memory_space<hbm>>
      tpu.wait_dma2 semaphore(%run_scoped3A : memref<!tpu.dma_semaphore, #tpu.memory_space<semaphore_mem>>) src(%dma_wait3A_112 : memref<10016xi32, #tpu.memory_space<hbm>>) dst(%arg10 : memref<10016xi32, #tpu.memory_space<vmem>>)
      tpu.yield
    }) : () -> ()
    %iota3A = tpu.iota {dimensions = array<i32: 0>} : vector<16xi32>
    %eq3A = arith.constant 15 : i32
    %eq3A_3 = vector.broadcast %eq3A : i32 to vector<16xi32>
    %eq3A_4 = arith.cmpi eq, %iota3A, %eq3A_3 : vector<16xi32>
    %broadcast_in_dim3A = arith.constant 0 : i32
    %broadcast_in_dim3A_5 = vector.broadcast %broadcast_in_dim3A : i32 to vector<16xi32>
    %add3A_6 = arith.constant 0 : i32
    %add3A_7 = vector.broadcast %add3A_6 : i32 to vector<16xi32>
    %add3A_8 = arith.addi %iota3A, %add3A_7 : vector<16xi32>
    %add3A_9 = arith.constant 16 : i32
    %add3A_10 = vector.broadcast %add3A_9 : i32 to vector<16xi32>
    %add3A_11 = arith.addi %iota3A, %add3A_10 : vector<16xi32>
    %add3A_12 = arith.constant 32 : i32
    %add3A_13 = vector.broadcast %add3A_12 : i32 to vector<16xi32>
    %add3A_14 = arith.addi %iota3A, %add3A_13 : vector<16xi32>
    %add3A_15 = arith.constant 48 : i32
    %add3A_16 = vector.broadcast %add3A_15 : i32 to vector<16xi32>
    %add3A_17 = arith.addi %iota3A, %add3A_16 : vector<16xi32>
    %add3A_18 = arith.constant 64 : i32
    %add3A_19 = vector.broadcast %add3A_18 : i32 to vector<16xi32>
    %add3A_20 = arith.addi %iota3A, %add3A_19 : vector<16xi32>
    %add3A_21 = arith.constant 80 : i32
    %add3A_22 = vector.broadcast %add3A_21 : i32 to vector<16xi32>
    %add3A_23 = arith.addi %iota3A, %add3A_22 : vector<16xi32>
    %add3A_24 = arith.constant 96 : i32
    %add3A_25 = vector.broadcast %add3A_24 : i32 to vector<16xi32>
    %add3A_26 = arith.addi %iota3A, %add3A_25 : vector<16xi32>
    %add3A_27 = arith.constant 112 : i32
    %add3A_28 = vector.broadcast %add3A_27 : i32 to vector<16xi32>
    %add3A_29 = arith.addi %iota3A, %add3A_28 : vector<16xi32>
    %dma_start3A = arith.constant 0 : i32
    %dma_start3A_30 = arith.constant 0 : i32
    %dma_start3A_31 = arith.constant 0 : i32
    %dma_start3A_32 = arith.constant 0 : i32
    %dma_start3A_33 = tpu.memref_slice %arg12[%dma_start3A_30, %dma_start3A_31, %dma_start3A_32] : memref<3x80x128xf32, #tpu.memory_space<vmem>> -> memref<1x80x128xf32, #tpu.memory_space<vmem>>
    %dma_start3A_34 = tpu.memref_squeeze %dma_start3A_33 : memref<1x80x128xf32, #tpu.memory_space<vmem>> -> memref<80x128xf32, #tpu.memory_space<vmem>>
    %dma_start3A_35 = arith.constant 0 : i32
    %dma_start3A_36 = tpu.memref_slice %arg8[%dma_start3A, %dma_start3A_35] : memref<125x80xi32, #tpu.memory_space<vmem>> -> memref<1x80xi32, #tpu.memory_space<vmem>>
    %dma_start3A_37 = tpu.memref_squeeze %dma_start3A_36 : memref<1x80xi32, #tpu.memory_space<vmem>> -> memref<80xi32, #tpu.memory_space<vmem>>
    %dma_start3A_38 = arith.constant 0 : i32
    %dma_start3A_39 = arith.constant 0 : i32
    %dma_start3A_40 = tpu.memref_slice %arg5[%dma_start3A_38, %dma_start3A_39] : memref<10000x128xf32, #tpu.memory_space<hbm>> -> memref<10000x128xf32, #tpu.memory_space<hbm>>
    tpu.enqueue_indirect_dma source(%dma_start3A_40 : memref<10000x128xf32, #tpu.memory_space<hbm>>) target(%dma_start3A_34 : memref<80x128xf32, #tpu.memory_space<vmem>>) offsets(%dma_start3A_37 : memref<80xi32, #tpu.memory_space<vmem>>) semaphore(%arg15 : memref<!tpu.dma_semaphore, #tpu.memory_space<semaphore_mem>>)
    %dma_start3A_41 = arith.constant 0 : i32
    %dma_start3A_42 = arith.constant 0 : i32
    %dma_start3A_43 = arith.constant 0 : i32
    %dma_start3A_44 = arith.constant 0 : i32
    %dma_start3A_45 = tpu.memref_slice %arg13[%dma_start3A_42, %dma_start3A_43, %dma_start3A_44] : memref<3x80x128xf32, #tpu.memory_space<vmem>> -> memref<1x80x128xf32, #tpu.memory_space<vmem>>
    %dma_start3A_46 = tpu.memref_squeeze %dma_start3A_45 : memref<1x80x128xf32, #tpu.memory_space<vmem>> -> memref<80x128xf32, #tpu.memory_space<vmem>>
    %dma_start3A_47 = arith.constant 0 : i32
    %dma_start3A_48 = tpu.memref_slice %arg9[%dma_start3A_41, %dma_start3A_47] : memref<125x80xi32, #tpu.memory_space<vmem>> -> memref<1x80xi32, #tpu.memory_space<vmem>>
    %dma_start3A_49 = tpu.memref_squeeze %dma_start3A_48 : memref<1x80xi32, #tpu.memory_space<vmem>> -> memref<80xi32, #tpu.memory_space<vmem>>
    %dma_start3A_50 = arith.constant 0 : i32
    %dma_start3A_51 = arith.constant 0 : i32
    %dma_start3A_52 = tpu.memref_slice %arg5[%dma_start3A_50, %dma_start3A_51] : memref<10000x128xf32, #tpu.memory_space<hbm>> -> memref<10000x128xf32, #tpu.memory_space<hbm>>
    tpu.enqueue_indirect_dma source(%dma_start3A_52 : memref<10000x128xf32, #tpu.memory_space<hbm>>) target(%dma_start3A_46 : memref<80x128xf32, #tpu.memory_space<vmem>>) offsets(%dma_start3A_49 : memref<80xi32, #tpu.memory_space<vmem>>) semaphore(%arg15 : memref<!tpu.dma_semaphore, #tpu.memory_space<semaphore_mem>>)
    %dma_start3A_53 = arith.constant 1 : i32
    %dma_start3A_54 = arith.constant 1 : i32
    %dma_start3A_55 = arith.constant 0 : i32
    %dma_start3A_56 = arith.constant 0 : i32
    %dma_start3A_57 = tpu.memref_slice %arg12[%dma_start3A_54, %dma_start3A_55, %dma_start3A_56] : memref<3x80x128xf32, #tpu.memory_space<vmem>> -> memref<1x80x128xf32, #tpu.memory_space<vmem>>
    %dma_start3A_58 = tpu.memref_squeeze %dma_start3A_57 : memref<1x80x128xf32, #tpu.memory_space<vmem>> -> memref<80x128xf32, #tpu.memory_space<vmem>>
    %dma_start3A_59 = arith.constant 0 : i32
    %dma_start3A_60 = tpu.memref_slice %arg8[%dma_start3A_53, %dma_start3A_59] : memref<125x80xi32, #tpu.memory_space<vmem>> -> memref<1x80xi32, #tpu.memory_space<vmem>>
    %dma_start3A_61 = tpu.memref_squeeze %dma_start3A_60 : memref<1x80xi32, #tpu.memory_space<vmem>> -> memref<80xi32, #tpu.memory_space<vmem>>
    %dma_start3A_62 = arith.constant 0 : i32
    %dma_start3A_63 = arith.constant 0 : i32
    %dma_start3A_64 = tpu.memref_slice %arg5[%dma_start3A_62, %dma_start3A_63] : memref<10000x128xf32, #tpu.memory_space<hbm>> -> memref<10000x128xf32, #tpu.memory_space<hbm>>
    tpu.enqueue_indirect_dma source(%dma_start3A_64 : memref<10000x128xf32, #tpu.memory_space<hbm>>) target(%dma_start3A_58 : memref<80x128xf32, #tpu.memory_space<vmem>>) offsets(%dma_start3A_61 : memref<80xi32, #tpu.memory_space<vmem>>) semaphore(%arg16 : memref<!tpu.dma_semaphore, #tpu.memory_space<semaphore_mem>>)
    %dma_start3A_65 = arith.constant 1 : i32
    %dma_start3A_66 = arith.constant 1 : i32
    %dma_start3A_67 = arith.constant 0 : i32
    %dma_start3A_68 = arith.constant 0 : i32
    %dma_start3A_69 = tpu.memref_slice %arg13[%dma_start3A_66, %dma_start3A_67, %dma_start3A_68] : memref<3x80x128xf32, #tpu.memory_space<vmem>> -> memref<1x80x128xf32, #tpu.memory_space<vmem>>
    %dma_start3A_70 = tpu.memref_squeeze %dma_start3A_69 : memref<1x80x128xf32, #tpu.memory_space<vmem>> -> memref<80x128xf32, #tpu.memory_space<vmem>>
    %dma_start3A_71 = arith.constant 0 : i32
    %dma_start3A_72 = tpu.memref_slice %arg9[%dma_start3A_65, %dma_start3A_71] : memref<125x80xi32, #tpu.memory_space<vmem>> -> memref<1x80xi32, #tpu.memory_space<vmem>>
    %dma_start3A_73 = tpu.memref_squeeze %dma_start3A_72 : memref<1x80xi32, #tpu.memory_space<vmem>> -> memref<80xi32, #tpu.memory_space<vmem>>
    %dma_start3A_74 = arith.constant 0 : i32
    %dma_start3A_75 = arith.constant 0 : i32
    %dma_start3A_76 = tpu.memref_slice %arg5[%dma_start3A_74, %dma_start3A_75] : memref<10000x128xf32, #tpu.memory_space<hbm>> -> memref<10000x128xf32, #tpu.memory_space<hbm>>
    tpu.enqueue_indirect_dma source(%dma_start3A_76 : memref<10000x128xf32, #tpu.memory_space<hbm>>) target(%dma_start3A_70 : memref<80x128xf32, #tpu.memory_space<vmem>>) offsets(%dma_start3A_73 : memref<80xi32, #tpu.memory_space<vmem>>) semaphore(%arg16 : memref<!tpu.dma_semaphore, #tpu.memory_space<semaphore_mem>>)
    %dma_start3A_77 = arith.constant 2 : i32
    %dma_start3A_78 = arith.constant 2 : i32
    %dma_start3A_79 = arith.constant 0 : i32
    %dma_start3A_80 = arith.constant 0 : i32
    %dma_start3A_81 = tpu.memref_slice %arg12[%dma_start3A_78, %dma_start3A_79, %dma_start3A_80] : memref<3x80x128xf32, #tpu.memory_space<vmem>> -> memref<1x80x128xf32, #tpu.memory_space<vmem>>
    %dma_start3A_82 = tpu.memref_squeeze %dma_start3A_81 : memref<1x80x128xf32, #tpu.memory_space<vmem>> -> memref<80x128xf32, #tpu.memory_space<vmem>>
    %dma_start3A_83 = arith.constant 0 : i32
    %dma_start3A_84 = tpu.memref_slice %arg8[%dma_start3A_77, %dma_start3A_83] : memref<125x80xi32, #tpu.memory_space<vmem>> -> memref<1x80xi32, #tpu.memory_space<vmem>>
    %dma_start3A_85 = tpu.memref_squeeze %dma_start3A_84 : memref<1x80xi32, #tpu.memory_space<vmem>> -> memref<80xi32, #tpu.memory_space<vmem>>
    %dma_start3A_86 = arith.constant 0 : i32
    %dma_start3A_87 = arith.constant 0 : i32
    %dma_start3A_88 = tpu.memref_slice %arg5[%dma_start3A_86, %dma_start3A_87] : memref<10000x128xf32, #tpu.memory_space<hbm>> -> memref<10000x128xf32, #tpu.memory_space<hbm>>
    tpu.enqueue_indirect_dma source(%dma_start3A_88 : memref<10000x128xf32, #tpu.memory_space<hbm>>) target(%dma_start3A_82 : memref<80x128xf32, #tpu.memory_space<vmem>>) offsets(%dma_start3A_85 : memref<80xi32, #tpu.memory_space<vmem>>) semaphore(%arg17 : memref<!tpu.dma_semaphore, #tpu.memory_space<semaphore_mem>>)
    %dma_start3A_89 = arith.constant 2 : i32
    %dma_start3A_90 = arith.constant 2 : i32
    %dma_start3A_91 = arith.constant 0 : i32
    %dma_start3A_92 = arith.constant 0 : i32
    %dma_start3A_93 = tpu.memref_slice %arg13[%dma_start3A_90, %dma_start3A_91, %dma_start3A_92] : memref<3x80x128xf32, #tpu.memory_space<vmem>> -> memref<1x80x128xf32, #tpu.memory_space<vmem>>
    %dma_start3A_94 = tpu.memref_squeeze %dma_start3A_93 : memref<1x80x128xf32, #tpu.memory_space<vmem>> -> memref<80x128xf32, #tpu.memory_space<vmem>>
    %dma_start3A_95 = arith.constant 0 : i32
    %dma_start3A_96 = tpu.memref_slice %arg9[%dma_start3A_89, %dma_start3A_95] : memref<125x80xi32, #tpu.memory_space<vmem>> -> memref<1x80xi32, #tpu.memory_space<vmem>>
    %dma_start3A_97 = tpu.memref_squeeze %dma_start3A_96 : memref<1x80xi32, #tpu.memory_space<vmem>> -> memref<80xi32, #tpu.memory_space<vmem>>
    %dma_start3A_98 = arith.constant 0 : i32
    %dma_start3A_99 = arith.constant 0 : i32
    %dma_start3A_100 = tpu.memref_slice %arg5[%dma_start3A_98, %dma_start3A_99] : memref<10000x128xf32, #tpu.memory_space<hbm>> -> memref<10000x128xf32, #tpu.memory_space<hbm>>
    tpu.enqueue_indirect_dma source(%dma_start3A_100 : memref<10000x128xf32, #tpu.memory_space<hbm>>) target(%dma_start3A_94 : memref<80x128xf32, #tpu.memory_space<vmem>>) offsets(%dma_start3A_97 : memref<80xi32, #tpu.memory_space<vmem>>) semaphore(%arg17 : memref<!tpu.dma_semaphore, #tpu.memory_space<semaphore_mem>>)
    %scan3A = arith.constant 0 : i32
    %scan3A_101 = arith.constant 0 : i32
    %scan3A_102 = arith.constant 42 : i32
    %scan3A_103 = arith.addi %scan3A_101, %scan3A_102 : i32
    %scan3A_104 = arith.constant 1 : i32
    scf.for %scan3A_110 = %scan3A_101 to %scan3A_103 step %scan3A_104  : i32 {
      %mul3A_111 = arith.constant 3 : i32
      %mul3A_112 = arith.muli %scan3A_110, %mul3A_111 : i32
      %add3A_113 = arith.constant 0 : i32
      %add3A_114 = arith.addi %mul3A_112, %add3A_113 : i32
      %lt3A = arith.constant 125 : i32
      %lt3A_115 = arith.cmpi slt, %add3A_114, %lt3A : i32
      %convert_element_type3A = arith.extui %lt3A_115 : i1 to i32
      %cond3A = arith.constant 0 : i32
      %cond3A_116 = arith.cmpi ne, %convert_element_type3A, %cond3A : i32
      scf.if %cond3A_116 {
        %dma_wait3A = arith.constant 0 : i32
        %dma_wait3A_131 = arith.constant 0 : i32
        %dma_wait3A_132 = arith.constant 0 : i32
        %dma_wait3A_133 = tpu.memref_slice %arg12[%dma_wait3A, %dma_wait3A_131, %dma_wait3A_132] : memref<3x80x128xf32, #tpu.memory_space<vmem>> -> memref<1x80x128xf32, #tpu.memory_space<vmem>>
        %dma_wait3A_134 = tpu.memref_squeeze %dma_wait3A_133 : memref<1x80x128xf32, #tpu.memory_space<vmem>> -> memref<80x128xf32, #tpu.memory_space<vmem>>
        %dma_wait3A_135 = arith.constant 0 : i32
        %dma_wait3A_136 = tpu.memref_slice %arg8[%add3A_114, %dma_wait3A_135] : memref<125x80xi32, #tpu.memory_space<vmem>> -> memref<1x80xi32, #tpu.memory_space<vmem>>
        %dma_wait3A_137 = tpu.memref_squeeze %dma_wait3A_136 : memref<1x80xi32, #tpu.memory_space<vmem>> -> memref<80xi32, #tpu.memory_space<vmem>>
        %dma_wait3A_138 = arith.constant 0 : i32
        %dma_wait3A_139 = arith.constant 0 : i32
        %dma_wait3A_140 = tpu.memref_slice %arg5[%dma_wait3A_138, %dma_wait3A_139] : memref<10000x128xf32, #tpu.memory_space<hbm>> -> memref<10000x128xf32, #tpu.memory_space<hbm>>
        tpu.wait_indirect_dma semaphore(%arg15 : memref<!tpu.dma_semaphore, #tpu.memory_space<semaphore_mem>>) src(%dma_wait3A_140 : memref<10000x128xf32, #tpu.memory_space<hbm>>) dst(%dma_wait3A_134 : memref<80x128xf32, #tpu.memory_space<vmem>>)
        %dma_wait3A_141 = arith.constant 0 : i32
        %dma_wait3A_142 = arith.constant 0 : i32
        %dma_wait3A_143 = arith.constant 0 : i32
        %dma_wait3A_144 = tpu.memref_slice %arg13[%dma_wait3A_141, %dma_wait3A_142, %dma_wait3A_143] : memref<3x80x128xf32, #tpu.memory_space<vmem>> -> memref<1x80x128xf32, #tpu.memory_space<vmem>>
        %dma_wait3A_145 = tpu.memref_squeeze %dma_wait3A_144 : memref<1x80x128xf32, #tpu.memory_space<vmem>> -> memref<80x128xf32, #tpu.memory_space<vmem>>
        %dma_wait3A_146 = arith.constant 0 : i32
        %dma_wait3A_147 = tpu.memref_slice %arg9[%add3A_114, %dma_wait3A_146] : memref<125x80xi32, #tpu.memory_space<vmem>> -> memref<1x80xi32, #tpu.memory_space<vmem>>
        %dma_wait3A_148 = tpu.memref_squeeze %dma_wait3A_147 : memref<1x80xi32, #tpu.memory_space<vmem>> -> memref<80xi32, #tpu.memory_space<vmem>>
        %dma_wait3A_149 = arith.constant 0 : i32
        %dma_wait3A_150 = arith.constant 0 : i32
        %dma_wait3A_151 = tpu.memref_slice %arg5[%dma_wait3A_149, %dma_wait3A_150] : memref<10000x128xf32, #tpu.memory_space<hbm>> -> memref<10000x128xf32, #tpu.memory_space<hbm>>
        tpu.wait_indirect_dma semaphore(%arg15 : memref<!tpu.dma_semaphore, #tpu.memory_space<semaphore_mem>>) src(%dma_wait3A_151 : memref<10000x128xf32, #tpu.memory_space<hbm>>) dst(%dma_wait3A_145 : memref<80x128xf32, #tpu.memory_space<vmem>>)
        %mul3A_152 = arith.constant 80 : i32
        %mul3A_153 = arith.muli %add3A_114, %mul3A_152 : i32
        %parallel_loop3A_154 = arith.constant 0 : i32
        %parallel_loop3A_155 = arith.constant 80 : i32
        %parallel_loop3A_156 = arith.constant 1 : i32
        scf.for %parallel_loop3A_164 = %parallel_loop3A_154 to %parallel_loop3A_155 step %parallel_loop3A_156  : i32 {
          %parallel_loop3A_165 = arith.addi %mul3A_153, %parallel_loop3A_164 : i32
          %parallel_loop3A_166 = arith.index_cast %parallel_loop3A_165 : i32 to index
          %parallel_loop3A_167 = tpu.vector_load %arg10[%parallel_loop3A_166] {strides = array<i32>} : memref<10016xi32, #tpu.memory_space<vmem>>, vector<16xi32>,
          %parallel_loop3A_168 = arith.constant 0 : i32
          %parallel_loop3A_169 = vector.broadcast %parallel_loop3A_168 : i32 to vector<16xi32>
          %parallel_loop3A_170 = arith.cmpi slt, %broadcast_in_dim3A_5, %parallel_loop3A_169 : vector<16xi32>
          %parallel_loop3A_171 = arith.constant 16 : i32
          %parallel_loop3A_172 = vector.broadcast %parallel_loop3A_171 : i32 to vector<16xi32>
          %parallel_loop3A_173 = arith.addi %broadcast_in_dim3A_5, %parallel_loop3A_172 : vector<16xi32>
          %parallel_loop3A_174 = arith.select %parallel_loop3A_170, %parallel_loop3A_173, %broadcast_in_dim3A_5 : vector<16xi1>, vector<16xi32>
          %parallel_loop3A_175 = vector.shape_cast %parallel_loop3A_174 : vector<16xi32> to vector<16x1xi32>
          %parallel_loop3A_176 = vector.shape_cast %parallel_loop3A_175 : vector<16x1xi32> to vector<16xi32>
          %parallel_loop3A_177 = tpu.dynamic_gather %parallel_loop3A_167[%parallel_loop3A_176] in [0] : vector<16xi32>, vector<16xi32> -> vector<16xi32>
          %parallel_loop3A_178 = arith.constant 0 : i32
          %parallel_loop3A_179 = arith.index_cast %parallel_loop3A_178 : i32 to index
          %parallel_loop3A_180 = arith.index_cast %parallel_loop3A_164 : i32 to index
          %parallel_loop3A_181 = arith.constant 0 : index
          %parallel_loop3A_182 = tpu.vector_load %arg12[%parallel_loop3A_179, %parallel_loop3A_180, %parallel_loop3A_181] {strides = array<i32>} : memref<3x80x128xf32, #tpu.memory_space<vmem>>, vector<16xf32>,
          %parallel_loop3A_183 = arith.constant 0 : i32
          %parallel_loop3A_184 = arith.index_cast %parallel_loop3A_183 : i32 to index
          %parallel_loop3A_185 = arith.index_cast %parallel_loop3A_164 : i32 to index
          %parallel_loop3A_186 = arith.constant 0 : index
          %parallel_loop3A_187 = tpu.vector_load %arg13[%parallel_loop3A_184, %parallel_loop3A_185, %parallel_loop3A_186] {strides = array<i32>} : memref<3x80x128xf32, #tpu.memory_space<vmem>>, vector<16xf32>,
          %parallel_loop3A_188 = tpu.vector_load_idx %arg11[%parallel_loop3A_177, %add3A_8] : memref<64x128xf32, #tpu.memory_space<vmem>>[vector<16xi32>, vector<16xi32>], vector<16xf32>,
          %parallel_loop3A_189 = arith.mulf %parallel_loop3A_182, %parallel_loop3A_187 : vector<16xf32>
          %parallel_loop3A_190 = arith.mulf %parallel_loop3A_189, %parallel_loop3A_188 : vector<16xf32>
          %parallel_loop3A_191 = arith.constant 0 : i32
          %parallel_loop3A_192 = arith.index_cast %parallel_loop3A_191 : i32 to index
          %parallel_loop3A_193 = arith.index_cast %parallel_loop3A_164 : i32 to index
          %parallel_loop3A_194 = arith.constant 16 : index
          %parallel_loop3A_195 = tpu.vector_load %arg12[%parallel_loop3A_192, %parallel_loop3A_193, %parallel_loop3A_194] {strides = array<i32>} : memref<3x80x128xf32, #tpu.memory_space<vmem>>, vector<16xf32>,
          %parallel_loop3A_196 = arith.constant 0 : i32
          %parallel_loop3A_197 = arith.index_cast %parallel_loop3A_196 : i32 to index
          %parallel_loop3A_198 = arith.index_cast %parallel_loop3A_164 : i32 to index
          %parallel_loop3A_199 = arith.constant 16 : index
          %parallel_loop3A_200 = tpu.vector_load %arg13[%parallel_loop3A_197, %parallel_loop3A_198, %parallel_loop3A_199] {strides = array<i32>} : memref<3x80x128xf32, #tpu.memory_space<vmem>>, vector<16xf32>,
          %parallel_loop3A_201 = tpu.vector_load_idx %arg11[%parallel_loop3A_177, %add3A_11] : memref<64x128xf32, #tpu.memory_space<vmem>>[vector<16xi32>, vector<16xi32>], vector<16xf32>,
          %parallel_loop3A_202 = arith.mulf %parallel_loop3A_195, %parallel_loop3A_200 : vector<16xf32>
          %parallel_loop3A_203 = arith.mulf %parallel_loop3A_202, %parallel_loop3A_201 : vector<16xf32>
          %parallel_loop3A_204 = arith.constant 0 : i32
          %parallel_loop3A_205 = arith.index_cast %parallel_loop3A_204 : i32 to index
          %parallel_loop3A_206 = arith.index_cast %parallel_loop3A_164 : i32 to index
          %parallel_loop3A_207 = arith.constant 32 : index
          %parallel_loop3A_208 = tpu.vector_load %arg12[%parallel_loop3A_205, %parallel_loop3A_206, %parallel_loop3A_207] {strides = array<i32>} : memref<3x80x128xf32, #tpu.memory_space<vmem>>, vector<16xf32>,
          %parallel_loop3A_209 = arith.constant 0 : i32
          %parallel_loop3A_210 = arith.index_cast %parallel_loop3A_209 : i32 to index
          %parallel_loop3A_211 = arith.index_cast %parallel_loop3A_164 : i32 to index
          %parallel_loop3A_212 = arith.constant 32 : index
          %parallel_loop3A_213 = tpu.vector_load %arg13[%parallel_loop3A_210, %parallel_loop3A_211, %parallel_loop3A_212] {strides = array<i32>} : memref<3x80x128xf32, #tpu.memory_space<vmem>>, vector<16xf32>,
          %parallel_loop3A_214 = tpu.vector_load_idx %arg11[%parallel_loop3A_177, %add3A_14] : memref<64x128xf32, #tpu.memory_space<vmem>>[vector<16xi32>, vector<16xi32>], vector<16xf32>,
          %parallel_loop3A_215 = arith.mulf %parallel_loop3A_208, %parallel_loop3A_213 : vector<16xf32>
          %parallel_loop3A_216 = arith.mulf %parallel_loop3A_215, %parallel_loop3A_214 : vector<16xf32>
          %parallel_loop3A_217 = arith.addf %parallel_loop3A_190, %parallel_loop3A_216 : vector<16xf32>
          %parallel_loop3A_218 = arith.constant 0 : i32
          %parallel_loop3A_219 = arith.index_cast %parallel_loop3A_218 : i32 to index
          %parallel_loop3A_220 = arith.index_cast %parallel_loop3A_164 : i32 to index
          %parallel_loop3A_221 = arith.constant 48 : index
          %parallel_loop3A_222 = tpu.vector_load %arg12[%parallel_loop3A_219, %parallel_loop3A_220, %parallel_loop3A_221] {strides = array<i32>} : memref<3x80x128xf32, #tpu.memory_space<vmem>>, vector<16xf32>,
          %parallel_loop3A_223 = arith.constant 0 : i32
          %parallel_loop3A_224 = arith.index_cast %parallel_loop3A_223 : i32 to index
          %parallel_loop3A_225 = arith.index_cast %parallel_loop3A_164 : i32 to index
          %parallel_loop3A_226 = arith.constant 48 : index
          %parallel_loop3A_227 = tpu.vector_load %arg13[%parallel_loop3A_224, %parallel_loop3A_225, %parallel_loop3A_226] {strides = array<i32>} : memref<3x80x128xf32, #tpu.memory_space<vmem>>, vector<16xf32>,
          %parallel_loop3A_228 = tpu.vector_load_idx %arg11[%parallel_loop3A_177, %add3A_17] : memref<64x128xf32, #tpu.memory_space<vmem>>[vector<16xi32>, vector<16xi32>], vector<16xf32>,
          %parallel_loop3A_229 = arith.mulf %parallel_loop3A_222, %parallel_loop3A_227 : vector<16xf32>
          %parallel_loop3A_230 = arith.mulf %parallel_loop3A_229, %parallel_loop3A_228 : vector<16xf32>
          %parallel_loop3A_231 = arith.addf %parallel_loop3A_203, %parallel_loop3A_230 : vector<16xf32>
          %parallel_loop3A_232 = arith.constant 0 : i32
          %parallel_loop3A_233 = arith.index_cast %parallel_loop3A_232 : i32 to index
          %parallel_loop3A_234 = arith.index_cast %parallel_loop3A_164 : i32 to index
          %parallel_loop3A_235 = arith.constant 64 : index
          %parallel_loop3A_236 = tpu.vector_load %arg12[%parallel_loop3A_233, %parallel_loop3A_234, %parallel_loop3A_235] {strides = array<i32>} : memref<3x80x128xf32, #tpu.memory_space<vmem>>, vector<16xf32>,
          %parallel_loop3A_237 = arith.constant 0 : i32
          %parallel_loop3A_238 = arith.index_cast %parallel_loop3A_237 : i32 to index
          %parallel_loop3A_239 = arith.index_cast %parallel_loop3A_164 : i32 to index
          %parallel_loop3A_240 = arith.constant 64 : index
          %parallel_loop3A_241 = tpu.vector_load %arg13[%parallel_loop3A_238, %parallel_loop3A_239, %parallel_loop3A_240] {strides = array<i32>} : memref<3x80x128xf32, #tpu.memory_space<vmem>>, vector<16xf32>,
          %parallel_loop3A_242 = tpu.vector_load_idx %arg11[%parallel_loop3A_177, %add3A_20] : memref<64x128xf32, #tpu.memory_space<vmem>>[vector<16xi32>, vector<16xi32>], vector<16xf32>,
          %parallel_loop3A_243 = arith.mulf %parallel_loop3A_236, %parallel_loop3A_241 : vector<16xf32>
          %parallel_loop3A_244 = arith.mulf %parallel_loop3A_243, %parallel_loop3A_242 : vector<16xf32>
          %parallel_loop3A_245 = arith.addf %parallel_loop3A_217, %parallel_loop3A_244 : vector<16xf32>
          %parallel_loop3A_246 = arith.constant 0 : i32
          %parallel_loop3A_247 = arith.index_cast %parallel_loop3A_246 : i32 to index
          %parallel_loop3A_248 = arith.index_cast %parallel_loop3A_164 : i32 to index
          %parallel_loop3A_249 = arith.constant 80 : index
          %parallel_loop3A_250 = tpu.vector_load %arg12[%parallel_loop3A_247, %parallel_loop3A_248, %parallel_loop3A_249] {strides = array<i32>} : memref<3x80x128xf32, #tpu.memory_space<vmem>>, vector<16xf32>,
          %parallel_loop3A_251 = arith.constant 0 : i32
          %parallel_loop3A_252 = arith.index_cast %parallel_loop3A_251 : i32 to index
          %parallel_loop3A_253 = arith.index_cast %parallel_loop3A_164 : i32 to index
          %parallel_loop3A_254 = arith.constant 80 : index
          %parallel_loop3A_255 = tpu.vector_load %arg13[%parallel_loop3A_252, %parallel_loop3A_253, %parallel_loop3A_254] {strides = array<i32>} : memref<3x80x128xf32, #tpu.memory_space<vmem>>, vector<16xf32>,
          %parallel_loop3A_256 = tpu.vector_load_idx %arg11[%parallel_loop3A_177, %add3A_23] : memref<64x128xf32, #tpu.memory_space<vmem>>[vector<16xi32>, vector<16xi32>], vector<16xf32>,
          %parallel_loop3A_257 = arith.mulf %parallel_loop3A_250, %parallel_loop3A_255 : vector<16xf32>
          %parallel_loop3A_258 = arith.mulf %parallel_loop3A_257, %parallel_loop3A_256 : vector<16xf32>
          %parallel_loop3A_259 = arith.addf %parallel_loop3A_231, %parallel_loop3A_258 : vector<16xf32>
          %parallel_loop3A_260 = arith.constant 0 : i32
          %parallel_loop3A_261 = arith.index_cast %parallel_loop3A_260 : i32 to index
          %parallel_loop3A_262 = arith.index_cast %parallel_loop3A_164 : i32 to index
          %parallel_loop3A_263 = arith.constant 96 : index
          %parallel_loop3A_264 = tpu.vector_load %arg12[%parallel_loop3A_261, %parallel_loop3A_262, %parallel_loop3A_263] {strides = array<i32>} : memref<3x80x128xf32, #tpu.memory_space<vmem>>, vector<16xf32>,
          %parallel_loop3A_265 = arith.constant 0 : i32
          %parallel_loop3A_266 = arith.index_cast %parallel_loop3A_265 : i32 to index
          %parallel_loop3A_267 = arith.index_cast %parallel_loop3A_164 : i32 to index
          %parallel_loop3A_268 = arith.constant 96 : index
          %parallel_loop3A_269 = tpu.vector_load %arg13[%parallel_loop3A_266, %parallel_loop3A_267, %parallel_loop3A_268] {strides = array<i32>} : memref<3x80x128xf32, #tpu.memory_space<vmem>>, vector<16xf32>,
          %parallel_loop3A_270 = tpu.vector_load_idx %arg11[%parallel_loop3A_177, %add3A_26] : memref<64x128xf32, #tpu.memory_space<vmem>>[vector<16xi32>, vector<16xi32>], vector<16xf32>,
          %parallel_loop3A_271 = arith.mulf %parallel_loop3A_264, %parallel_loop3A_269 : vector<16xf32>
          %parallel_loop3A_272 = arith.mulf %parallel_loop3A_271, %parallel_loop3A_270 : vector<16xf32>
          %parallel_loop3A_273 = arith.addf %parallel_loop3A_245, %parallel_loop3A_272 : vector<16xf32>
          %parallel_loop3A_274 = arith.constant 0 : i32
          %parallel_loop3A_275 = arith.index_cast %parallel_loop3A_274 : i32 to index
          %parallel_loop3A_276 = arith.index_cast %parallel_loop3A_164 : i32 to index
          %parallel_loop3A_277 = arith.constant 112 : index
          %parallel_loop3A_278 = tpu.vector_load %arg12[%parallel_loop3A_275, %parallel_loop3A_276, %parallel_loop3A_277] {strides = array<i32>} : memref<3x80x128xf32, #tpu.memory_space<vmem>>, vector<16xf32>,
          %parallel_loop3A_279 = arith.constant 0 : i32
          %parallel_loop3A_280 = arith.index_cast %parallel_loop3A_279 : i32 to index
          %parallel_loop3A_281 = arith.index_cast %parallel_loop3A_164 : i32 to index
          %parallel_loop3A_282 = arith.constant 112 : index
          %parallel_loop3A_283 = tpu.vector_load %arg13[%parallel_loop3A_280, %parallel_loop3A_281, %parallel_loop3A_282] {strides = array<i32>} : memref<3x80x128xf32, #tpu.memory_space<vmem>>, vector<16xf32>,
          %parallel_loop3A_284 = tpu.vector_load_idx %arg11[%parallel_loop3A_177, %add3A_29] : memref<64x128xf32, #tpu.memory_space<vmem>>[vector<16xi32>, vector<16xi32>], vector<16xf32>,
          %parallel_loop3A_285 = arith.mulf %parallel_loop3A_278, %parallel_loop3A_283 : vector<16xf32>
          %parallel_loop3A_286 = arith.mulf %parallel_loop3A_285, %parallel_loop3A_284 : vector<16xf32>
          %parallel_loop3A_287 = arith.addf %parallel_loop3A_259, %parallel_loop3A_286 : vector<16xf32>
          %parallel_loop3A_288 = arith.addf %parallel_loop3A_273, %parallel_loop3A_287 : vector<16xf32>
          %parallel_loop3A_289 = arith.constant true
          %parallel_loop3A_290 = vector.broadcast %parallel_loop3A_289 : i1 to vector<16xi1>
          %parallel_loop3A_291 = tpu.scan <sum>, %parallel_loop3A_288 masked %parallel_loop3A_290 : vector<16xf32>, vector<16xi1> -> vector<16xf32>
          %parallel_loop3A_292 = arith.addi %mul3A_153, %parallel_loop3A_164 : i32
          %parallel_loop3A_293 = arith.index_cast %parallel_loop3A_292 : i32 to index
          %parallel_loop3A_294 = tpu.vector_load %arg14[%parallel_loop3A_293] masked %eq3A_4 {strides = array<i32>} : memref<10016xf32, #tpu.memory_space<vmem>>, vector<16xf32>, vector<16xi1>
          tpu.vector_store %arg14[%parallel_loop3A_293], %parallel_loop3A_291 masked %eq3A_4 {strides = array<i32>} : memref<10016xf32, #tpu.memory_space<vmem>>, vector<16xf32>, vector<16xi1>
        } {sc.loop_unroll_factor = 4 : i64, sc.parallel_access}
        %add3A_157 = arith.constant 3 : i32
        %add3A_158 = arith.addi %add3A_114, %add3A_157 : i32
        %lt3A_159 = arith.constant 125 : i32
        %lt3A_160 = arith.cmpi slt, %add3A_158, %lt3A_159 : i32
        %convert_element_type3A_161 = arith.extui %lt3A_160 : i1 to i32
        %cond3A_162 = arith.constant 0 : i32
        %cond3A_163 = arith.cmpi ne, %convert_element_type3A_161, %cond3A_162 : i32
        scf.if %cond3A_163 {
          %add3A_164 = arith.constant 3 : i32
          %add3A_165 = arith.addi %add3A_114, %add3A_164 : i32
          %dma_start3A_166 = arith.constant 0 : i32
          %dma_start3A_167 = arith.constant 0 : i32
          %dma_start3A_168 = arith.constant 0 : i32
          %dma_start3A_169 = tpu.memref_slice %arg12[%dma_start3A_166, %dma_start3A_167, %dma_start3A_168] : memref<3x80x128xf32, #tpu.memory_space<vmem>> -> memref<1x80x128xf32, #tpu.memory_space<vmem>>
          %dma_start3A_170 = tpu.memref_squeeze %dma_start3A_169 : memref<1x80x128xf32, #tpu.memory_space<vmem>> -> memref<80x128xf32, #tpu.memory_space<vmem>>
          %dma_start3A_171 = arith.constant 0 : i32
          %dma_start3A_172 = tpu.memref_slice %arg8[%add3A_165, %dma_start3A_171] : memref<125x80xi32, #tpu.memory_space<vmem>> -> memref<1x80xi32, #tpu.memory_space<vmem>>
          %dma_start3A_173 = tpu.memref_squeeze %dma_start3A_172 : memref<1x80xi32, #tpu.memory_space<vmem>> -> memref<80xi32, #tpu.memory_space<vmem>>
          %dma_start3A_174 = arith.constant 0 : i32
          %dma_start3A_175 = arith.constant 0 : i32
          %dma_start3A_176 = tpu.memref_slice %arg5[%dma_start3A_174, %dma_start3A_175] : memref<10000x128xf32, #tpu.memory_space<hbm>> -> memref<10000x128xf32, #tpu.memory_space<hbm>>
          tpu.enqueue_indirect_dma source(%dma_start3A_176 : memref<10000x128xf32, #tpu.memory_space<hbm>>) target(%dma_start3A_170 : memref<80x128xf32, #tpu.memory_space<vmem>>) offsets(%dma_start3A_173 : memref<80xi32, #tpu.memory_space<vmem>>) semaphore(%arg15 : memref<!tpu.dma_semaphore, #tpu.memory_space<semaphore_mem>>)
          %dma_start3A_177 = arith.constant 0 : i32
          %dma_start3A_178 = arith.constant 0 : i32
          %dma_start3A_179 = arith.constant 0 : i32
          %dma_start3A_180 = tpu.memref_slice %arg13[%dma_start3A_177, %dma_start3A_178, %dma_start3A_179] : memref<3x80x128xf32, #tpu.memory_space<vmem>> -> memref<1x80x128xf32, #tpu.memory_space<vmem>>
          %dma_start3A_181 = tpu.memref_squeeze %dma_start3A_180 : memref<1x80x128xf32, #tpu.memory_space<vmem>> -> memref<80x128xf32, #tpu.memory_space<vmem>>
          %dma_start3A_182 = arith.constant 0 : i32
          %dma_start3A_183 = tpu.memref_slice %arg9[%add3A_165, %dma_start3A_182] : memref<125x80xi32, #tpu.memory_space<vmem>> -> memref<1x80xi32, #tpu.memory_space<vmem>>
          %dma_start3A_184 = tpu.memref_squeeze %dma_start3A_183 : memref<1x80xi32, #tpu.memory_space<vmem>> -> memref<80xi32, #tpu.memory_space<vmem>>
          %dma_start3A_185 = arith.constant 0 : i32
          %dma_start3A_186 = arith.constant 0 : i32
          %dma_start3A_187 = tpu.memref_slice %arg5[%dma_start3A_185, %dma_start3A_186] : memref<10000x128xf32, #tpu.memory_space<hbm>> -> memref<10000x128xf32, #tpu.memory_space<hbm>>
          tpu.enqueue_indirect_dma source(%dma_start3A_187 : memref<10000x128xf32, #tpu.memory_space<hbm>>) target(%dma_start3A_181 : memref<80x128xf32, #tpu.memory_space<vmem>>) offsets(%dma_start3A_184 : memref<80xi32, #tpu.memory_space<vmem>>) semaphore(%arg15 : memref<!tpu.dma_semaphore, #tpu.memory_space<semaphore_mem>>)
        } else {
        }
      } else {
      }
      %add3A_117 = arith.constant 1 : i32
      %add3A_118 = arith.addi %mul3A_112, %add3A_117 : i32
      %lt3A_119 = arith.constant 125 : i32
      %lt3A_120 = arith.cmpi slt, %add3A_118, %lt3A_119 : i32
      %convert_element_type3A_121 = arith.extui %lt3A_120 : i1 to i32
      %cond3A_122 = arith.constant 0 : i32
      %cond3A_123 = arith.cmpi ne, %convert_element_type3A_121, %cond3A_122 : i32
      scf.if %cond3A_123 {
        %dma_wait3A = arith.constant 1 : i32
        %dma_wait3A_131 = arith.constant 0 : i32
        %dma_wait3A_132 = arith.constant 0 : i32
        %dma_wait3A_133 = tpu.memref_slice %arg12[%dma_wait3A, %dma_wait3A_131, %dma_wait3A_132] : memref<3x80x128xf32, #tpu.memory_space<vmem>> -> memref<1x80x128xf32, #tpu.memory_space<vmem>>
        %dma_wait3A_134 = tpu.memref_squeeze %dma_wait3A_133 : memref<1x80x128xf32, #tpu.memory_space<vmem>> -> memref<80x128xf32, #tpu.memory_space<vmem>>
        %dma_wait3A_135 = arith.constant 0 : i32
        %dma_wait3A_136 = tpu.memref_slice %arg8[%add3A_118, %dma_wait3A_135] : memref<125x80xi32, #tpu.memory_space<vmem>> -> memref<1x80xi32, #tpu.memory_space<vmem>>
        %dma_wait3A_137 = tpu.memref_squeeze %dma_wait3A_136 : memref<1x80xi32, #tpu.memory_space<vmem>> -> memref<80xi32, #tpu.memory_space<vmem>>
        %dma_wait3A_138 = arith.constant 0 : i32
        %dma_wait3A_139 = arith.constant 0 : i32
        %dma_wait3A_140 = tpu.memref_slice %arg5[%dma_wait3A_138, %dma_wait3A_139] : memref<10000x128xf32, #tpu.memory_space<hbm>> -> memref<10000x128xf32, #tpu.memory_space<hbm>>
        tpu.wait_indirect_dma semaphore(%arg16 : memref<!tpu.dma_semaphore, #tpu.memory_space<semaphore_mem>>) src(%dma_wait3A_140 : memref<10000x128xf32, #tpu.memory_space<hbm>>) dst(%dma_wait3A_134 : memref<80x128xf32, #tpu.memory_space<vmem>>)
        %dma_wait3A_141 = arith.constant 1 : i32
        %dma_wait3A_142 = arith.constant 0 : i32
        %dma_wait3A_143 = arith.constant 0 : i32
        %dma_wait3A_144 = tpu.memref_slice %arg13[%dma_wait3A_141, %dma_wait3A_142, %dma_wait3A_143] : memref<3x80x128xf32, #tpu.memory_space<vmem>> -> memref<1x80x128xf32, #tpu.memory_space<vmem>>
        %dma_wait3A_145 = tpu.memref_squeeze %dma_wait3A_144 : memref<1x80x128xf32, #tpu.memory_space<vmem>> -> memref<80x128xf32, #tpu.memory_space<vmem>>
        %dma_wait3A_146 = arith.constant 0 : i32
        %dma_wait3A_147 = tpu.memref_slice %arg9[%add3A_118, %dma_wait3A_146] : memref<125x80xi32, #tpu.memory_space<vmem>> -> memref<1x80xi32, #tpu.memory_space<vmem>>
        %dma_wait3A_148 = tpu.memref_squeeze %dma_wait3A_147 : memref<1x80xi32, #tpu.memory_space<vmem>> -> memref<80xi32, #tpu.memory_space<vmem>>
        %dma_wait3A_149 = arith.constant 0 : i32
        %dma_wait3A_150 = arith.constant 0 : i32
        %dma_wait3A_151 = tpu.memref_slice %arg5[%dma_wait3A_149, %dma_wait3A_150] : memref<10000x128xf32, #tpu.memory_space<hbm>> -> memref<10000x128xf32, #tpu.memory_space<hbm>>
        tpu.wait_indirect_dma semaphore(%arg16 : memref<!tpu.dma_semaphore, #tpu.memory_space<semaphore_mem>>) src(%dma_wait3A_151 : memref<10000x128xf32, #tpu.memory_space<hbm>>) dst(%dma_wait3A_145 : memref<80x128xf32, #tpu.memory_space<vmem>>)
        %mul3A_152 = arith.constant 80 : i32
        %mul3A_153 = arith.muli %add3A_118, %mul3A_152 : i32
        %parallel_loop3A_154 = arith.constant 0 : i32
        %parallel_loop3A_155 = arith.constant 80 : i32
        %parallel_loop3A_156 = arith.constant 1 : i32
        scf.for %parallel_loop3A_164 = %parallel_loop3A_154 to %parallel_loop3A_155 step %parallel_loop3A_156  : i32 {
          %parallel_loop3A_165 = arith.addi %mul3A_153, %parallel_loop3A_164 : i32
          %parallel_loop3A_166 = arith.index_cast %parallel_loop3A_165 : i32 to index
          %parallel_loop3A_167 = tpu.vector_load %arg10[%parallel_loop3A_166] {strides = array<i32>} : memref<10016xi32, #tpu.memory_space<vmem>>, vector<16xi32>,
          %parallel_loop3A_168 = arith.constant 0 : i32
          %parallel_loop3A_169 = vector.broadcast %parallel_loop3A_168 : i32 to vector<16xi32>
          %parallel_loop3A_170 = arith.cmpi slt, %broadcast_in_dim3A_5, %parallel_loop3A_169 : vector<16xi32>
          %parallel_loop3A_171 = arith.constant 16 : i32
          %parallel_loop3A_172 = vector.broadcast %parallel_loop3A_171 : i32 to vector<16xi32>
          %parallel_loop3A_173 = arith.addi %broadcast_in_dim3A_5, %parallel_loop3A_172 : vector<16xi32>
          %parallel_loop3A_174 = arith.select %parallel_loop3A_170, %parallel_loop3A_173, %broadcast_in_dim3A_5 : vector<16xi1>, vector<16xi32>
          %parallel_loop3A_175 = vector.shape_cast %parallel_loop3A_174 : vector<16xi32> to vector<16x1xi32>
          %parallel_loop3A_176 = vector.shape_cast %parallel_loop3A_175 : vector<16x1xi32> to vector<16xi32>
          %parallel_loop3A_177 = tpu.dynamic_gather %parallel_loop3A_167[%parallel_loop3A_176] in [0] : vector<16xi32>, vector<16xi32> -> vector<16xi32>
          %parallel_loop3A_178 = arith.constant 1 : i32
          %parallel_loop3A_179 = arith.index_cast %parallel_loop3A_178 : i32 to index
          %parallel_loop3A_180 = arith.index_cast %parallel_loop3A_164 : i32 to index
          %parallel_loop3A_181 = arith.constant 0 : index
          %parallel_loop3A_182 = tpu.vector_load %arg12[%parallel_loop3A_179, %parallel_loop3A_180, %parallel_loop3A_181] {strides = array<i32>} : memref<3x80x128xf32, #tpu.memory_space<vmem>>, vector<16xf32>,
          %parallel_loop3A_183 = arith.constant 1 : i32
          %parallel_loop3A_184 = arith.index_cast %parallel_loop3A_183 : i32 to index
          %parallel_loop3A_185 = arith.index_cast %parallel_loop3A_164 : i32 to index
          %parallel_loop3A_186 = arith.constant 0 : index
          %parallel_loop3A_187 = tpu.vector_load %arg13[%parallel_loop3A_184, %parallel_loop3A_185, %parallel_loop3A_186] {strides = array<i32>} : memref<3x80x128xf32, #tpu.memory_space<vmem>>, vector<16xf32>,
          %parallel_loop3A_188 = tpu.vector_load_idx %arg11[%parallel_loop3A_177, %add3A_8] : memref<64x128xf32, #tpu.memory_space<vmem>>[vector<16xi32>, vector<16xi32>], vector<16xf32>,
          %parallel_loop3A_189 = arith.mulf %parallel_loop3A_182, %parallel_loop3A_187 : vector<16xf32>
          %parallel_loop3A_190 = arith.mulf %parallel_loop3A_189, %parallel_loop3A_188 : vector<16xf32>
          %parallel_loop3A_191 = arith.constant 1 : i32
          %parallel_loop3A_192 = arith.index_cast %parallel_loop3A_191 : i32 to index
          %parallel_loop3A_193 = arith.index_cast %parallel_loop3A_164 : i32 to index
          %parallel_loop3A_194 = arith.constant 16 : index
          %parallel_loop3A_195 = tpu.vector_load %arg12[%parallel_loop3A_192, %parallel_loop3A_193, %parallel_loop3A_194] {strides = array<i32>} : memref<3x80x128xf32, #tpu.memory_space<vmem>>, vector<16xf32>,
          %parallel_loop3A_196 = arith.constant 1 : i32
          %parallel_loop3A_197 = arith.index_cast %parallel_loop3A_196 : i32 to index
          %parallel_loop3A_198 = arith.index_cast %parallel_loop3A_164 : i32 to index
          %parallel_loop3A_199 = arith.constant 16 : index
          %parallel_loop3A_200 = tpu.vector_load %arg13[%parallel_loop3A_197, %parallel_loop3A_198, %parallel_loop3A_199] {strides = array<i32>} : memref<3x80x128xf32, #tpu.memory_space<vmem>>, vector<16xf32>,
          %parallel_loop3A_201 = tpu.vector_load_idx %arg11[%parallel_loop3A_177, %add3A_11] : memref<64x128xf32, #tpu.memory_space<vmem>>[vector<16xi32>, vector<16xi32>], vector<16xf32>,
          %parallel_loop3A_202 = arith.mulf %parallel_loop3A_195, %parallel_loop3A_200 : vector<16xf32>
          %parallel_loop3A_203 = arith.mulf %parallel_loop3A_202, %parallel_loop3A_201 : vector<16xf32>
          %parallel_loop3A_204 = arith.constant 1 : i32
          %parallel_loop3A_205 = arith.index_cast %parallel_loop3A_204 : i32 to index
          %parallel_loop3A_206 = arith.index_cast %parallel_loop3A_164 : i32 to index
          %parallel_loop3A_207 = arith.constant 32 : index
          %parallel_loop3A_208 = tpu.vector_load %arg12[%parallel_loop3A_205, %parallel_loop3A_206, %parallel_loop3A_207] {strides = array<i32>} : memref<3x80x128xf32, #tpu.memory_space<vmem>>, vector<16xf32>,
          %parallel_loop3A_209 = arith.constant 1 : i32
          %parallel_loop3A_210 = arith.index_cast %parallel_loop3A_209 : i32 to index
          %parallel_loop3A_211 = arith.index_cast %parallel_loop3A_164 : i32 to index
          %parallel_loop3A_212 = arith.constant 32 : index
          %parallel_loop3A_213 = tpu.vector_load %arg13[%parallel_loop3A_210, %parallel_loop3A_211, %parallel_loop3A_212] {strides = array<i32>} : memref<3x80x128xf32, #tpu.memory_space<vmem>>, vector<16xf32>,
          %parallel_loop3A_214 = tpu.vector_load_idx %arg11[%parallel_loop3A_177, %add3A_14] : memref<64x128xf32, #tpu.memory_space<vmem>>[vector<16xi32>, vector<16xi32>], vector<16xf32>,
          %parallel_loop3A_215 = arith.mulf %parallel_loop3A_208, %parallel_loop3A_213 : vector<16xf32>
          %parallel_loop3A_216 = arith.mulf %parallel_loop3A_215, %parallel_loop3A_214 : vector<16xf32>
          %parallel_loop3A_217 = arith.addf %parallel_loop3A_190, %parallel_loop3A_216 : vector<16xf32>
          %parallel_loop3A_218 = arith.constant 1 : i32
          %parallel_loop3A_219 = arith.index_cast %parallel_loop3A_218 : i32 to index
          %parallel_loop3A_220 = arith.index_cast %parallel_loop3A_164 : i32 to index
          %parallel_loop3A_221 = arith.constant 48 : index
          %parallel_loop3A_222 = tpu.vector_load %arg12[%parallel_loop3A_219, %parallel_loop3A_220, %parallel_loop3A_221] {strides = array<i32>} : memref<3x80x128xf32, #tpu.memory_space<vmem>>, vector<16xf32>,
          %parallel_loop3A_223 = arith.constant 1 : i32
          %parallel_loop3A_224 = arith.index_cast %parallel_loop3A_223 : i32 to index
          %parallel_loop3A_225 = arith.index_cast %parallel_loop3A_164 : i32 to index
          %parallel_loop3A_226 = arith.constant 48 : index
          %parallel_loop3A_227 = tpu.vector_load %arg13[%parallel_loop3A_224, %parallel_loop3A_225, %parallel_loop3A_226] {strides = array<i32>} : memref<3x80x128xf32, #tpu.memory_space<vmem>>, vector<16xf32>,
          %parallel_loop3A_228 = tpu.vector_load_idx %arg11[%parallel_loop3A_177, %add3A_17] : memref<64x128xf32, #tpu.memory_space<vmem>>[vector<16xi32>, vector<16xi32>], vector<16xf32>,
          %parallel_loop3A_229 = arith.mulf %parallel_loop3A_222, %parallel_loop3A_227 : vector<16xf32>
          %parallel_loop3A_230 = arith.mulf %parallel_loop3A_229, %parallel_loop3A_228 : vector<16xf32>
          %parallel_loop3A_231 = arith.addf %parallel_loop3A_203, %parallel_loop3A_230 : vector<16xf32>
          %parallel_loop3A_232 = arith.constant 1 : i32
          %parallel_loop3A_233 = arith.index_cast %parallel_loop3A_232 : i32 to index
          %parallel_loop3A_234 = arith.index_cast %parallel_loop3A_164 : i32 to index
          %parallel_loop3A_235 = arith.constant 64 : index
          %parallel_loop3A_236 = tpu.vector_load %arg12[%parallel_loop3A_233, %parallel_loop3A_234, %parallel_loop3A_235] {strides = array<i32>} : memref<3x80x128xf32, #tpu.memory_space<vmem>>, vector<16xf32>,
          %parallel_loop3A_237 = arith.constant 1 : i32
          %parallel_loop3A_238 = arith.index_cast %parallel_loop3A_237 : i32 to index
          %parallel_loop3A_239 = arith.index_cast %parallel_loop3A_164 : i32 to index
          %parallel_loop3A_240 = arith.constant 64 : index
          %parallel_loop3A_241 = tpu.vector_load %arg13[%parallel_loop3A_238, %parallel_loop3A_239, %parallel_loop3A_240] {strides = array<i32>} : memref<3x80x128xf32, #tpu.memory_space<vmem>>, vector<16xf32>,
          %parallel_loop3A_242 = tpu.vector_load_idx %arg11[%parallel_loop3A_177, %add3A_20] : memref<64x128xf32, #tpu.memory_space<vmem>>[vector<16xi32>, vector<16xi32>], vector<16xf32>,
          %parallel_loop3A_243 = arith.mulf %parallel_loop3A_236, %parallel_loop3A_241 : vector<16xf32>
          %parallel_loop3A_244 = arith.mulf %parallel_loop3A_243, %parallel_loop3A_242 : vector<16xf32>
          %parallel_loop3A_245 = arith.addf %parallel_loop3A_217, %parallel_loop3A_244 : vector<16xf32>
          %parallel_loop3A_246 = arith.constant 1 : i32
          %parallel_loop3A_247 = arith.index_cast %parallel_loop3A_246 : i32 to index
          %parallel_loop3A_248 = arith.index_cast %parallel_loop3A_164 : i32 to index
          %parallel_loop3A_249 = arith.constant 80 : index
          %parallel_loop3A_250 = tpu.vector_load %arg12[%parallel_loop3A_247, %parallel_loop3A_248, %parallel_loop3A_249] {strides = array<i32>} : memref<3x80x128xf32, #tpu.memory_space<vmem>>, vector<16xf32>,
          %parallel_loop3A_251 = arith.constant 1 : i32
          %parallel_loop3A_252 = arith.index_cast %parallel_loop3A_251 : i32 to index
          %parallel_loop3A_253 = arith.index_cast %parallel_loop3A_164 : i32 to index
          %parallel_loop3A_254 = arith.constant 80 : index
          %parallel_loop3A_255 = tpu.vector_load %arg13[%parallel_loop3A_252, %parallel_loop3A_253, %parallel_loop3A_254] {strides = array<i32>} : memref<3x80x128xf32, #tpu.memory_space<vmem>>, vector<16xf32>,
          %parallel_loop3A_256 = tpu.vector_load_idx %arg11[%parallel_loop3A_177, %add3A_23] : memref<64x128xf32, #tpu.memory_space<vmem>>[vector<16xi32>, vector<16xi32>], vector<16xf32>,
          %parallel_loop3A_257 = arith.mulf %parallel_loop3A_250, %parallel_loop3A_255 : vector<16xf32>
          %parallel_loop3A_258 = arith.mulf %parallel_loop3A_257, %parallel_loop3A_256 : vector<16xf32>
          %parallel_loop3A_259 = arith.addf %parallel_loop3A_231, %parallel_loop3A_258 : vector<16xf32>
          %parallel_loop3A_260 = arith.constant 1 : i32
          %parallel_loop3A_261 = arith.index_cast %parallel_loop3A_260 : i32 to index
          %parallel_loop3A_262 = arith.index_cast %parallel_loop3A_164 : i32 to index
          %parallel_loop3A_263 = arith.constant 96 : index
          %parallel_loop3A_264 = tpu.vector_load %arg12[%parallel_loop3A_261, %parallel_loop3A_262, %parallel_loop3A_263] {strides = array<i32>} : memref<3x80x128xf32, #tpu.memory_space<vmem>>, vector<16xf32>,
          %parallel_loop3A_265 = arith.constant 1 : i32
          %parallel_loop3A_266 = arith.index_cast %parallel_loop3A_265 : i32 to index
          %parallel_loop3A_267 = arith.index_cast %parallel_loop3A_164 : i32 to index
          %parallel_loop3A_268 = arith.constant 96 : index
          %parallel_loop3A_269 = tpu.vector_load %arg13[%parallel_loop3A_266, %parallel_loop3A_267, %parallel_loop3A_268] {strides = array<i32>} : memref<3x80x128xf32, #tpu.memory_space<vmem>>, vector<16xf32>,
          %parallel_loop3A_270 = tpu.vector_load_idx %arg11[%parallel_loop3A_177, %add3A_26] : memref<64x128xf32, #tpu.memory_space<vmem>>[vector<16xi32>, vector<16xi32>], vector<16xf32>,
          %parallel_loop3A_271 = arith.mulf %parallel_loop3A_264, %parallel_loop3A_269 : vector<16xf32>
          %parallel_loop3A_272 = arith.mulf %parallel_loop3A_271, %parallel_loop3A_270 : vector<16xf32>
          %parallel_loop3A_273 = arith.addf %parallel_loop3A_245, %parallel_loop3A_272 : vector<16xf32>
          %parallel_loop3A_274 = arith.constant 1 : i32
          %parallel_loop3A_275 = arith.index_cast %parallel_loop3A_274 : i32 to index
          %parallel_loop3A_276 = arith.index_cast %parallel_loop3A_164 : i32 to index
          %parallel_loop3A_277 = arith.constant 112 : index
          %parallel_loop3A_278 = tpu.vector_load %arg12[%parallel_loop3A_275, %parallel_loop3A_276, %parallel_loop3A_277] {strides = array<i32>} : memref<3x80x128xf32, #tpu.memory_space<vmem>>, vector<16xf32>,
          %parallel_loop3A_279 = arith.constant 1 : i32
          %parallel_loop3A_280 = arith.index_cast %parallel_loop3A_279 : i32 to index
          %parallel_loop3A_281 = arith.index_cast %parallel_loop3A_164 : i32 to index
          %parallel_loop3A_282 = arith.constant 112 : index
          %parallel_loop3A_283 = tpu.vector_load %arg13[%parallel_loop3A_280, %parallel_loop3A_281, %parallel_loop3A_282] {strides = array<i32>} : memref<3x80x128xf32, #tpu.memory_space<vmem>>, vector<16xf32>,
          %parallel_loop3A_284 = tpu.vector_load_idx %arg11[%parallel_loop3A_177, %add3A_29] : memref<64x128xf32, #tpu.memory_space<vmem>>[vector<16xi32>, vector<16xi32>], vector<16xf32>,
          %parallel_loop3A_285 = arith.mulf %parallel_loop3A_278, %parallel_loop3A_283 : vector<16xf32>
          %parallel_loop3A_286 = arith.mulf %parallel_loop3A_285, %parallel_loop3A_284 : vector<16xf32>
          %parallel_loop3A_287 = arith.addf %parallel_loop3A_259, %parallel_loop3A_286 : vector<16xf32>
          %parallel_loop3A_288 = arith.addf %parallel_loop3A_273, %parallel_loop3A_287 : vector<16xf32>
          %parallel_loop3A_289 = arith.constant true
          %parallel_loop3A_290 = vector.broadcast %parallel_loop3A_289 : i1 to vector<16xi1>
          %parallel_loop3A_291 = tpu.scan <sum>, %parallel_loop3A_288 masked %parallel_loop3A_290 : vector<16xf32>, vector<16xi1> -> vector<16xf32>
          %parallel_loop3A_292 = arith.addi %mul3A_153, %parallel_loop3A_164 : i32
          %parallel_loop3A_293 = arith.index_cast %parallel_loop3A_292 : i32 to index
          %parallel_loop3A_294 = tpu.vector_load %arg14[%parallel_loop3A_293] masked %eq3A_4 {strides = array<i32>} : memref<10016xf32, #tpu.memory_space<vmem>>, vector<16xf32>, vector<16xi1>
          tpu.vector_store %arg14[%parallel_loop3A_293], %parallel_loop3A_291 masked %eq3A_4 {strides = array<i32>} : memref<10016xf32, #tpu.memory_space<vmem>>, vector<16xf32>, vector<16xi1>
        } {sc.loop_unroll_factor = 4 : i64, sc.parallel_access}
        %add3A_157 = arith.constant 3 : i32
        %add3A_158 = arith.addi %add3A_118, %add3A_157 : i32
        %lt3A_159 = arith.constant 125 : i32
        %lt3A_160 = arith.cmpi slt, %add3A_158, %lt3A_159 : i32
        %convert_element_type3A_161 = arith.extui %lt3A_160 : i1 to i32
        %cond3A_162 = arith.constant 0 : i32
        %cond3A_163 = arith.cmpi ne, %convert_element_type3A_161, %cond3A_162 : i32
        scf.if %cond3A_163 {
          %add3A_164 = arith.constant 3 : i32
          %add3A_165 = arith.addi %add3A_118, %add3A_164 : i32
          %dma_start3A_166 = arith.constant 1 : i32
          %dma_start3A_167 = arith.constant 0 : i32
          %dma_start3A_168 = arith.constant 0 : i32
          %dma_start3A_169 = tpu.memref_slice %arg12[%dma_start3A_166, %dma_start3A_167, %dma_start3A_168] : memref<3x80x128xf32, #tpu.memory_space<vmem>> -> memref<1x80x128xf32, #tpu.memory_space<vmem>>
          %dma_start3A_170 = tpu.memref_squeeze %dma_start3A_169 : memref<1x80x128xf32, #tpu.memory_space<vmem>> -> memref<80x128xf32, #tpu.memory_space<vmem>>
          %dma_start3A_171 = arith.constant 0 : i32
          %dma_start3A_172 = tpu.memref_slice %arg8[%add3A_165, %dma_start3A_171] : memref<125x80xi32, #tpu.memory_space<vmem>> -> memref<1x80xi32, #tpu.memory_space<vmem>>
          %dma_start3A_173 = tpu.memref_squeeze %dma_start3A_172 : memref<1x80xi32, #tpu.memory_space<vmem>> -> memref<80xi32, #tpu.memory_space<vmem>>
          %dma_start3A_174 = arith.constant 0 : i32
          %dma_start3A_175 = arith.constant 0 : i32
          %dma_start3A_176 = tpu.memref_slice %arg5[%dma_start3A_174, %dma_start3A_175] : memref<10000x128xf32, #tpu.memory_space<hbm>> -> memref<10000x128xf32, #tpu.memory_space<hbm>>
          tpu.enqueue_indirect_dma source(%dma_start3A_176 : memref<10000x128xf32, #tpu.memory_space<hbm>>) target(%dma_start3A_170 : memref<80x128xf32, #tpu.memory_space<vmem>>) offsets(%dma_start3A_173 : memref<80xi32, #tpu.memory_space<vmem>>) semaphore(%arg16 : memref<!tpu.dma_semaphore, #tpu.memory_space<semaphore_mem>>)
          %dma_start3A_177 = arith.constant 1 : i32
          %dma_start3A_178 = arith.constant 0 : i32
          %dma_start3A_179 = arith.constant 0 : i32
          %dma_start3A_180 = tpu.memref_slice %arg13[%dma_start3A_177, %dma_start3A_178, %dma_start3A_179] : memref<3x80x128xf32, #tpu.memory_space<vmem>> -> memref<1x80x128xf32, #tpu.memory_space<vmem>>
          %dma_start3A_181 = tpu.memref_squeeze %dma_start3A_180 : memref<1x80x128xf32, #tpu.memory_space<vmem>> -> memref<80x128xf32, #tpu.memory_space<vmem>>
          %dma_start3A_182 = arith.constant 0 : i32
          %dma_start3A_183 = tpu.memref_slice %arg9[%add3A_165, %dma_start3A_182] : memref<125x80xi32, #tpu.memory_space<vmem>> -> memref<1x80xi32, #tpu.memory_space<vmem>>
          %dma_start3A_184 = tpu.memref_squeeze %dma_start3A_183 : memref<1x80xi32, #tpu.memory_space<vmem>> -> memref<80xi32, #tpu.memory_space<vmem>>
          %dma_start3A_185 = arith.constant 0 : i32
          %dma_start3A_186 = arith.constant 0 : i32
          %dma_start3A_187 = tpu.memref_slice %arg5[%dma_start3A_185, %dma_start3A_186] : memref<10000x128xf32, #tpu.memory_space<hbm>> -> memref<10000x128xf32, #tpu.memory_space<hbm>>
          tpu.enqueue_indirect_dma source(%dma_start3A_187 : memref<10000x128xf32, #tpu.memory_space<hbm>>) target(%dma_start3A_181 : memref<80x128xf32, #tpu.memory_space<vmem>>) offsets(%dma_start3A_184 : memref<80xi32, #tpu.memory_space<vmem>>) semaphore(%arg16 : memref<!tpu.dma_semaphore, #tpu.memory_space<semaphore_mem>>)
        } else {
        }
      } else {
      }
      %add3A_124 = arith.constant 2 : i32
      %add3A_125 = arith.addi %mul3A_112, %add3A_124 : i32
      %lt3A_126 = arith.constant 125 : i32
      %lt3A_127 = arith.cmpi slt, %add3A_125, %lt3A_126 : i32
      %convert_element_type3A_128 = arith.extui %lt3A_127 : i1 to i32
      %cond3A_129 = arith.constant 0 : i32
      %cond3A_130 = arith.cmpi ne, %convert_element_type3A_128, %cond3A_129 : i32
      scf.if %cond3A_130 {
        %dma_wait3A = arith.constant 2 : i32
        %dma_wait3A_131 = arith.constant 0 : i32
        %dma_wait3A_132 = arith.constant 0 : i32
        %dma_wait3A_133 = tpu.memref_slice %arg12[%dma_wait3A, %dma_wait3A_131, %dma_wait3A_132] : memref<3x80x128xf32, #tpu.memory_space<vmem>> -> memref<1x80x128xf32, #tpu.memory_space<vmem>>
        %dma_wait3A_134 = tpu.memref_squeeze %dma_wait3A_133 : memref<1x80x128xf32, #tpu.memory_space<vmem>> -> memref<80x128xf32, #tpu.memory_space<vmem>>
        %dma_wait3A_135 = arith.constant 0 : i32
        %dma_wait3A_136 = tpu.memref_slice %arg8[%add3A_125, %dma_wait3A_135] : memref<125x80xi32, #tpu.memory_space<vmem>> -> memref<1x80xi32, #tpu.memory_space<vmem>>
        %dma_wait3A_137 = tpu.memref_squeeze %dma_wait3A_136 : memref<1x80xi32, #tpu.memory_space<vmem>> -> memref<80xi32, #tpu.memory_space<vmem>>
        %dma_wait3A_138 = arith.constant 0 : i32
        %dma_wait3A_139 = arith.constant 0 : i32
        %dma_wait3A_140 = tpu.memref_slice %arg5[%dma_wait3A_138, %dma_wait3A_139] : memref<10000x128xf32, #tpu.memory_space<hbm>> -> memref<10000x128xf32, #tpu.memory_space<hbm>>
        tpu.wait_indirect_dma semaphore(%arg17 : memref<!tpu.dma_semaphore, #tpu.memory_space<semaphore_mem>>) src(%dma_wait3A_140 : memref<10000x128xf32, #tpu.memory_space<hbm>>) dst(%dma_wait3A_134 : memref<80x128xf32, #tpu.memory_space<vmem>>)
        %dma_wait3A_141 = arith.constant 2 : i32
        %dma_wait3A_142 = arith.constant 0 : i32
        %dma_wait3A_143 = arith.constant 0 : i32
        %dma_wait3A_144 = tpu.memref_slice %arg13[%dma_wait3A_141, %dma_wait3A_142, %dma_wait3A_143] : memref<3x80x128xf32, #tpu.memory_space<vmem>> -> memref<1x80x128xf32, #tpu.memory_space<vmem>>
        %dma_wait3A_145 = tpu.memref_squeeze %dma_wait3A_144 : memref<1x80x128xf32, #tpu.memory_space<vmem>> -> memref<80x128xf32, #tpu.memory_space<vmem>>
        %dma_wait3A_146 = arith.constant 0 : i32
        %dma_wait3A_147 = tpu.memref_slice %arg9[%add3A_125, %dma_wait3A_146] : memref<125x80xi32, #tpu.memory_space<vmem>> -> memref<1x80xi32, #tpu.memory_space<vmem>>
        %dma_wait3A_148 = tpu.memref_squeeze %dma_wait3A_147 : memref<1x80xi32, #tpu.memory_space<vmem>> -> memref<80xi32, #tpu.memory_space<vmem>>
        %dma_wait3A_149 = arith.constant 0 : i32
        %dma_wait3A_150 = arith.constant 0 : i32
        %dma_wait3A_151 = tpu.memref_slice %arg5[%dma_wait3A_149, %dma_wait3A_150] : memref<10000x128xf32, #tpu.memory_space<hbm>> -> memref<10000x128xf32, #tpu.memory_space<hbm>>
        tpu.wait_indirect_dma semaphore(%arg17 : memref<!tpu.dma_semaphore, #tpu.memory_space<semaphore_mem>>) src(%dma_wait3A_151 : memref<10000x128xf32, #tpu.memory_space<hbm>>) dst(%dma_wait3A_145 : memref<80x128xf32, #tpu.memory_space<vmem>>)
        %mul3A_152 = arith.constant 80 : i32
        %mul3A_153 = arith.muli %add3A_125, %mul3A_152 : i32
        %parallel_loop3A_154 = arith.constant 0 : i32
        %parallel_loop3A_155 = arith.constant 80 : i32
        %parallel_loop3A_156 = arith.constant 1 : i32
        scf.for %parallel_loop3A_164 = %parallel_loop3A_154 to %parallel_loop3A_155 step %parallel_loop3A_156  : i32 {
          %parallel_loop3A_165 = arith.addi %mul3A_153, %parallel_loop3A_164 : i32
          %parallel_loop3A_166 = arith.index_cast %parallel_loop3A_165 : i32 to index
          %parallel_loop3A_167 = tpu.vector_load %arg10[%parallel_loop3A_166] {strides = array<i32>} : memref<10016xi32, #tpu.memory_space<vmem>>, vector<16xi32>,
          %parallel_loop3A_168 = arith.constant 0 : i32
          %parallel_loop3A_169 = vector.broadcast %parallel_loop3A_168 : i32 to vector<16xi32>
          %parallel_loop3A_170 = arith.cmpi slt, %broadcast_in_dim3A_5, %parallel_loop3A_169 : vector<16xi32>
          %parallel_loop3A_171 = arith.constant 16 : i32
          %parallel_loop3A_172 = vector.broadcast %parallel_loop3A_171 : i32 to vector<16xi32>
          %parallel_loop3A_173 = arith.addi %broadcast_in_dim3A_5, %parallel_loop3A_172 : vector<16xi32>
          %parallel_loop3A_174 = arith.select %parallel_loop3A_170, %parallel_loop3A_173, %broadcast_in_dim3A_5 : vector<16xi1>, vector<16xi32>
          %parallel_loop3A_175 = vector.shape_cast %parallel_loop3A_174 : vector<16xi32> to vector<16x1xi32>
          %parallel_loop3A_176 = vector.shape_cast %parallel_loop3A_175 : vector<16x1xi32> to vector<16xi32>
          %parallel_loop3A_177 = tpu.dynamic_gather %parallel_loop3A_167[%parallel_loop3A_176] in [0] : vector<16xi32>, vector<16xi32> -> vector<16xi32>
          %parallel_loop3A_178 = arith.constant 2 : i32
          %parallel_loop3A_179 = arith.index_cast %parallel_loop3A_178 : i32 to index
          %parallel_loop3A_180 = arith.index_cast %parallel_loop3A_164 : i32 to index
          %parallel_loop3A_181 = arith.constant 0 : index
          %parallel_loop3A_182 = tpu.vector_load %arg12[%parallel_loop3A_179, %parallel_loop3A_180, %parallel_loop3A_181] {strides = array<i32>} : memref<3x80x128xf32, #tpu.memory_space<vmem>>, vector<16xf32>,
          %parallel_loop3A_183 = arith.constant 2 : i32
          %parallel_loop3A_184 = arith.index_cast %parallel_loop3A_183 : i32 to index
          %parallel_loop3A_185 = arith.index_cast %parallel_loop3A_164 : i32 to index
          %parallel_loop3A_186 = arith.constant 0 : index
          %parallel_loop3A_187 = tpu.vector_load %arg13[%parallel_loop3A_184, %parallel_loop3A_185, %parallel_loop3A_186] {strides = array<i32>} : memref<3x80x128xf32, #tpu.memory_space<vmem>>, vector<16xf32>,
          %parallel_loop3A_188 = tpu.vector_load_idx %arg11[%parallel_loop3A_177, %add3A_8] : memref<64x128xf32, #tpu.memory_space<vmem>>[vector<16xi32>, vector<16xi32>], vector<16xf32>,
          %parallel_loop3A_189 = arith.mulf %parallel_loop3A_182, %parallel_loop3A_187 : vector<16xf32>
          %parallel_loop3A_190 = arith.mulf %parallel_loop3A_189, %parallel_loop3A_188 : vector<16xf32>
          %parallel_loop3A_191 = arith.constant 2 : i32
          %parallel_loop3A_192 = arith.index_cast %parallel_loop3A_191 : i32 to index
          %parallel_loop3A_193 = arith.index_cast %parallel_loop3A_164 : i32 to index
          %parallel_loop3A_194 = arith.constant 16 : index
          %parallel_loop3A_195 = tpu.vector_load %arg12[%parallel_loop3A_192, %parallel_loop3A_193, %parallel_loop3A_194] {strides = array<i32>} : memref<3x80x128xf32, #tpu.memory_space<vmem>>, vector<16xf32>,
          %parallel_loop3A_196 = arith.constant 2 : i32
          %parallel_loop3A_197 = arith.index_cast %parallel_loop3A_196 : i32 to index
          %parallel_loop3A_198 = arith.index_cast %parallel_loop3A_164 : i32 to index
          %parallel_loop3A_199 = arith.constant 16 : index
          %parallel_loop3A_200 = tpu.vector_load %arg13[%parallel_loop3A_197, %parallel_loop3A_198, %parallel_loop3A_199] {strides = array<i32>} : memref<3x80x128xf32, #tpu.memory_space<vmem>>, vector<16xf32>,
          %parallel_loop3A_201 = tpu.vector_load_idx %arg11[%parallel_loop3A_177, %add3A_11] : memref<64x128xf32, #tpu.memory_space<vmem>>[vector<16xi32>, vector<16xi32>], vector<16xf32>,
          %parallel_loop3A_202 = arith.mulf %parallel_loop3A_195, %parallel_loop3A_200 : vector<16xf32>
          %parallel_loop3A_203 = arith.mulf %parallel_loop3A_202, %parallel_loop3A_201 : vector<16xf32>
          %parallel_loop3A_204 = arith.constant 2 : i32
          %parallel_loop3A_205 = arith.index_cast %parallel_loop3A_204 : i32 to index
          %parallel_loop3A_206 = arith.index_cast %parallel_loop3A_164 : i32 to index
          %parallel_loop3A_207 = arith.constant 32 : index
          %parallel_loop3A_208 = tpu.vector_load %arg12[%parallel_loop3A_205, %parallel_loop3A_206, %parallel_loop3A_207] {strides = array<i32>} : memref<3x80x128xf32, #tpu.memory_space<vmem>>, vector<16xf32>,
          %parallel_loop3A_209 = arith.constant 2 : i32
          %parallel_loop3A_210 = arith.index_cast %parallel_loop3A_209 : i32 to index
          %parallel_loop3A_211 = arith.index_cast %parallel_loop3A_164 : i32 to index
          %parallel_loop3A_212 = arith.constant 32 : index
          %parallel_loop3A_213 = tpu.vector_load %arg13[%parallel_loop3A_210, %parallel_loop3A_211, %parallel_loop3A_212] {strides = array<i32>} : memref<3x80x128xf32, #tpu.memory_space<vmem>>, vector<16xf32>,
          %parallel_loop3A_214 = tpu.vector_load_idx %arg11[%parallel_loop3A_177, %add3A_14] : memref<64x128xf32, #tpu.memory_space<vmem>>[vector<16xi32>, vector<16xi32>], vector<16xf32>,
          %parallel_loop3A_215 = arith.mulf %parallel_loop3A_208, %parallel_loop3A_213 : vector<16xf32>
          %parallel_loop3A_216 = arith.mulf %parallel_loop3A_215, %parallel_loop3A_214 : vector<16xf32>
          %parallel_loop3A_217 = arith.addf %parallel_loop3A_190, %parallel_loop3A_216 : vector<16xf32>
          %parallel_loop3A_218 = arith.constant 2 : i32
          %parallel_loop3A_219 = arith.index_cast %parallel_loop3A_218 : i32 to index
          %parallel_loop3A_220 = arith.index_cast %parallel_loop3A_164 : i32 to index
          %parallel_loop3A_221 = arith.constant 48 : index
          %parallel_loop3A_222 = tpu.vector_load %arg12[%parallel_loop3A_219, %parallel_loop3A_220, %parallel_loop3A_221] {strides = array<i32>} : memref<3x80x128xf32, #tpu.memory_space<vmem>>, vector<16xf32>,
          %parallel_loop3A_223 = arith.constant 2 : i32
          %parallel_loop3A_224 = arith.index_cast %parallel_loop3A_223 : i32 to index
          %parallel_loop3A_225 = arith.index_cast %parallel_loop3A_164 : i32 to index
          %parallel_loop3A_226 = arith.constant 48 : index
          %parallel_loop3A_227 = tpu.vector_load %arg13[%parallel_loop3A_224, %parallel_loop3A_225, %parallel_loop3A_226] {strides = array<i32>} : memref<3x80x128xf32, #tpu.memory_space<vmem>>, vector<16xf32>,
          %parallel_loop3A_228 = tpu.vector_load_idx %arg11[%parallel_loop3A_177, %add3A_17] : memref<64x128xf32, #tpu.memory_space<vmem>>[vector<16xi32>, vector<16xi32>], vector<16xf32>,
          %parallel_loop3A_229 = arith.mulf %parallel_loop3A_222, %parallel_loop3A_227 : vector<16xf32>
          %parallel_loop3A_230 = arith.mulf %parallel_loop3A_229, %parallel_loop3A_228 : vector<16xf32>
          %parallel_loop3A_231 = arith.addf %parallel_loop3A_203, %parallel_loop3A_230 : vector<16xf32>
          %parallel_loop3A_232 = arith.constant 2 : i32
          %parallel_loop3A_233 = arith.index_cast %parallel_loop3A_232 : i32 to index
          %parallel_loop3A_234 = arith.index_cast %parallel_loop3A_164 : i32 to index
          %parallel_loop3A_235 = arith.constant 64 : index
          %parallel_loop3A_236 = tpu.vector_load %arg12[%parallel_loop3A_233, %parallel_loop3A_234, %parallel_loop3A_235] {strides = array<i32>} : memref<3x80x128xf32, #tpu.memory_space<vmem>>, vector<16xf32>,
          %parallel_loop3A_237 = arith.constant 2 : i32
          %parallel_loop3A_238 = arith.index_cast %parallel_loop3A_237 : i32 to index
          %parallel_loop3A_239 = arith.index_cast %parallel_loop3A_164 : i32 to index
          %parallel_loop3A_240 = arith.constant 64 : index
          %parallel_loop3A_241 = tpu.vector_load %arg13[%parallel_loop3A_238, %parallel_loop3A_239, %parallel_loop3A_240] {strides = array<i32>} : memref<3x80x128xf32, #tpu.memory_space<vmem>>, vector<16xf32>,
          %parallel_loop3A_242 = tpu.vector_load_idx %arg11[%parallel_loop3A_177, %add3A_20] : memref<64x128xf32, #tpu.memory_space<vmem>>[vector<16xi32>, vector<16xi32>], vector<16xf32>,
          %parallel_loop3A_243 = arith.mulf %parallel_loop3A_236, %parallel_loop3A_241 : vector<16xf32>
          %parallel_loop3A_244 = arith.mulf %parallel_loop3A_243, %parallel_loop3A_242 : vector<16xf32>
          %parallel_loop3A_245 = arith.addf %parallel_loop3A_217, %parallel_loop3A_244 : vector<16xf32>
          %parallel_loop3A_246 = arith.constant 2 : i32
          %parallel_loop3A_247 = arith.index_cast %parallel_loop3A_246 : i32 to index
          %parallel_loop3A_248 = arith.index_cast %parallel_loop3A_164 : i32 to index
          %parallel_loop3A_249 = arith.constant 80 : index
          %parallel_loop3A_250 = tpu.vector_load %arg12[%parallel_loop3A_247, %parallel_loop3A_248, %parallel_loop3A_249] {strides = array<i32>} : memref<3x80x128xf32, #tpu.memory_space<vmem>>, vector<16xf32>,
          %parallel_loop3A_251 = arith.constant 2 : i32
          %parallel_loop3A_252 = arith.index_cast %parallel_loop3A_251 : i32 to index
          %parallel_loop3A_253 = arith.index_cast %parallel_loop3A_164 : i32 to index
          %parallel_loop3A_254 = arith.constant 80 : index
          %parallel_loop3A_255 = tpu.vector_load %arg13[%parallel_loop3A_252, %parallel_loop3A_253, %parallel_loop3A_254] {strides = array<i32>} : memref<3x80x128xf32, #tpu.memory_space<vmem>>, vector<16xf32>,
          %parallel_loop3A_256 = tpu.vector_load_idx %arg11[%parallel_loop3A_177, %add3A_23] : memref<64x128xf32, #tpu.memory_space<vmem>>[vector<16xi32>, vector<16xi32>], vector<16xf32>,
          %parallel_loop3A_257 = arith.mulf %parallel_loop3A_250, %parallel_loop3A_255 : vector<16xf32>
          %parallel_loop3A_258 = arith.mulf %parallel_loop3A_257, %parallel_loop3A_256 : vector<16xf32>
          %parallel_loop3A_259 = arith.addf %parallel_loop3A_231, %parallel_loop3A_258 : vector<16xf32>
          %parallel_loop3A_260 = arith.constant 2 : i32
          %parallel_loop3A_261 = arith.index_cast %parallel_loop3A_260 : i32 to index
          %parallel_loop3A_262 = arith.index_cast %parallel_loop3A_164 : i32 to index
          %parallel_loop3A_263 = arith.constant 96 : index
          %parallel_loop3A_264 = tpu.vector_load %arg12[%parallel_loop3A_261, %parallel_loop3A_262, %parallel_loop3A_263] {strides = array<i32>} : memref<3x80x128xf32, #tpu.memory_space<vmem>>, vector<16xf32>,
          %parallel_loop3A_265 = arith.constant 2 : i32
          %parallel_loop3A_266 = arith.index_cast %parallel_loop3A_265 : i32 to index
          %parallel_loop3A_267 = arith.index_cast %parallel_loop3A_164 : i32 to index
          %parallel_loop3A_268 = arith.constant 96 : index
          %parallel_loop3A_269 = tpu.vector_load %arg13[%parallel_loop3A_266, %parallel_loop3A_267, %parallel_loop3A_268] {strides = array<i32>} : memref<3x80x128xf32, #tpu.memory_space<vmem>>, vector<16xf32>,
          %parallel_loop3A_270 = tpu.vector_load_idx %arg11[%parallel_loop3A_177, %add3A_26] : memref<64x128xf32, #tpu.memory_space<vmem>>[vector<16xi32>, vector<16xi32>], vector<16xf32>,
          %parallel_loop3A_271 = arith.mulf %parallel_loop3A_264, %parallel_loop3A_269 : vector<16xf32>
          %parallel_loop3A_272 = arith.mulf %parallel_loop3A_271, %parallel_loop3A_270 : vector<16xf32>
          %parallel_loop3A_273 = arith.addf %parallel_loop3A_245, %parallel_loop3A_272 : vector<16xf32>
          %parallel_loop3A_274 = arith.constant 2 : i32
          %parallel_loop3A_275 = arith.index_cast %parallel_loop3A_274 : i32 to index
          %parallel_loop3A_276 = arith.index_cast %parallel_loop3A_164 : i32 to index
          %parallel_loop3A_277 = arith.constant 112 : index
          %parallel_loop3A_278 = tpu.vector_load %arg12[%parallel_loop3A_275, %parallel_loop3A_276, %parallel_loop3A_277] {strides = array<i32>} : memref<3x80x128xf32, #tpu.memory_space<vmem>>, vector<16xf32>,
          %parallel_loop3A_279 = arith.constant 2 : i32
          %parallel_loop3A_280 = arith.index_cast %parallel_loop3A_279 : i32 to index
          %parallel_loop3A_281 = arith.index_cast %parallel_loop3A_164 : i32 to index
          %parallel_loop3A_282 = arith.constant 112 : index
          %parallel_loop3A_283 = tpu.vector_load %arg13[%parallel_loop3A_280, %parallel_loop3A_281, %parallel_loop3A_282] {strides = array<i32>} : memref<3x80x128xf32, #tpu.memory_space<vmem>>, vector<16xf32>,
          %parallel_loop3A_284 = tpu.vector_load_idx %arg11[%parallel_loop3A_177, %add3A_29] : memref<64x128xf32, #tpu.memory_space<vmem>>[vector<16xi32>, vector<16xi32>], vector<16xf32>,
          %parallel_loop3A_285 = arith.mulf %parallel_loop3A_278, %parallel_loop3A_283 : vector<16xf32>
          %parallel_loop3A_286 = arith.mulf %parallel_loop3A_285, %parallel_loop3A_284 : vector<16xf32>
          %parallel_loop3A_287 = arith.addf %parallel_loop3A_259, %parallel_loop3A_286 : vector<16xf32>
          %parallel_loop3A_288 = arith.addf %parallel_loop3A_273, %parallel_loop3A_287 : vector<16xf32>
          %parallel_loop3A_289 = arith.constant true
          %parallel_loop3A_290 = vector.broadcast %parallel_loop3A_289 : i1 to vector<16xi1>
          %parallel_loop3A_291 = tpu.scan <sum>, %parallel_loop3A_288 masked %parallel_loop3A_290 : vector<16xf32>, vector<16xi1> -> vector<16xf32>
          %parallel_loop3A_292 = arith.addi %mul3A_153, %parallel_loop3A_164 : i32
          %parallel_loop3A_293 = arith.index_cast %parallel_loop3A_292 : i32 to index
          %parallel_loop3A_294 = tpu.vector_load %arg14[%parallel_loop3A_293] masked %eq3A_4 {strides = array<i32>} : memref<10016xf32, #tpu.memory_space<vmem>>, vector<16xf32>, vector<16xi1>
          tpu.vector_store %arg14[%parallel_loop3A_293], %parallel_loop3A_291 masked %eq3A_4 {strides = array<i32>} : memref<10016xf32, #tpu.memory_space<vmem>>, vector<16xf32>, vector<16xi1>
        } {sc.loop_unroll_factor = 4 : i64, sc.parallel_access}
        %add3A_157 = arith.constant 3 : i32
        %add3A_158 = arith.addi %add3A_125, %add3A_157 : i32
        %lt3A_159 = arith.constant 125 : i32
        %lt3A_160 = arith.cmpi slt, %add3A_158, %lt3A_159 : i32
        %convert_element_type3A_161 = arith.extui %lt3A_160 : i1 to i32
        %cond3A_162 = arith.constant 0 : i32
        %cond3A_163 = arith.cmpi ne, %convert_element_type3A_161, %cond3A_162 : i32
        scf.if %cond3A_163 {
          %add3A_164 = arith.constant 3 : i32
          %add3A_165 = arith.addi %add3A_125, %add3A_164 : i32
          %dma_start3A_166 = arith.constant 2 : i32
          %dma_start3A_167 = arith.constant 0 : i32
          %dma_start3A_168 = arith.constant 0 : i32
          %dma_start3A_169 = tpu.memref_slice %arg12[%dma_start3A_166, %dma_start3A_167, %dma_start3A_168] : memref<3x80x128xf32, #tpu.memory_space<vmem>> -> memref<1x80x128xf32, #tpu.memory_space<vmem>>
          %dma_start3A_170 = tpu.memref_squeeze %dma_start3A_169 : memref<1x80x128xf32, #tpu.memory_space<vmem>> -> memref<80x128xf32, #tpu.memory_space<vmem>>
          %dma_start3A_171 = arith.constant 0 : i32
          %dma_start3A_172 = tpu.memref_slice %arg8[%add3A_165, %dma_start3A_171] : memref<125x80xi32, #tpu.memory_space<vmem>> -> memref<1x80xi32, #tpu.memory_space<vmem>>
          %dma_start3A_173 = tpu.memref_squeeze %dma_start3A_172 : memref<1x80xi32, #tpu.memory_space<vmem>> -> memref<80xi32, #tpu.memory_space<vmem>>
          %dma_start3A_174 = arith.constant 0 : i32
          %dma_start3A_175 = arith.constant 0 : i32
          %dma_start3A_176 = tpu.memref_slice %arg5[%dma_start3A_174, %dma_start3A_175] : memref<10000x128xf32, #tpu.memory_space<hbm>> -> memref<10000x128xf32, #tpu.memory_space<hbm>>
          tpu.enqueue_indirect_dma source(%dma_start3A_176 : memref<10000x128xf32, #tpu.memory_space<hbm>>) target(%dma_start3A_170 : memref<80x128xf32, #tpu.memory_space<vmem>>) offsets(%dma_start3A_173 : memref<80xi32, #tpu.memory_space<vmem>>) semaphore(%arg17 : memref<!tpu.dma_semaphore, #tpu.memory_space<semaphore_mem>>)
          %dma_start3A_177 = arith.constant 2 : i32
          %dma_start3A_178 = arith.constant 0 : i32
          %dma_start3A_179 = arith.constant 0 : i32
          %dma_start3A_180 = tpu.memref_slice %arg13[%dma_start3A_177, %dma_start3A_178, %dma_start3A_179] : memref<3x80x128xf32, #tpu.memory_space<vmem>> -> memref<1x80x128xf32, #tpu.memory_space<vmem>>
          %dma_start3A_181 = tpu.memref_squeeze %dma_start3A_180 : memref<1x80x128xf32, #tpu.memory_space<vmem>> -> memref<80x128xf32, #tpu.memory_space<vmem>>
          %dma_start3A_182 = arith.constant 0 : i32
          %dma_start3A_183 = tpu.memref_slice %arg9[%add3A_165, %dma_start3A_182] : memref<125x80xi32, #tpu.memory_space<vmem>> -> memref<1x80xi32, #tpu.memory_space<vmem>>
          %dma_start3A_184 = tpu.memref_squeeze %dma_start3A_183 : memref<1x80xi32, #tpu.memory_space<vmem>> -> memref<80xi32, #tpu.memory_space<vmem>>
          %dma_start3A_185 = arith.constant 0 : i32
          %dma_start3A_186 = arith.constant 0 : i32
          %dma_start3A_187 = tpu.memref_slice %arg5[%dma_start3A_185, %dma_start3A_186] : memref<10000x128xf32, #tpu.memory_space<hbm>> -> memref<10000x128xf32, #tpu.memory_space<hbm>>
          tpu.enqueue_indirect_dma source(%dma_start3A_187 : memref<10000x128xf32, #tpu.memory_space<hbm>>) target(%dma_start3A_181 : memref<80x128xf32, #tpu.memory_space<vmem>>) offsets(%dma_start3A_184 : memref<80xi32, #tpu.memory_space<vmem>>) semaphore(%arg17 : memref<!tpu.dma_semaphore, #tpu.memory_space<semaphore_mem>>)
        } else {
        }
      } else {
      }
    }
    %scan3A_105 = arith.constant 42 : i32
    %parallel_loop3A = arith.constant 0 : i32
    %parallel_loop3A_106 = arith.constant 625 : i32
    %parallel_loop3A_107 = arith.constant 1 : i32
    scf.for %parallel_loop3A_110 = %parallel_loop3A to %parallel_loop3A_106 step %parallel_loop3A_107  : i32 {
      %parallel_loop3A_111 = arith.constant 16 : i32
      %parallel_loop3A_112 = arith.muli %parallel_loop3A_110, %parallel_loop3A_111 : i32
      %parallel_loop3A_113 = arith.index_cast %parallel_loop3A_112 : i32 to index
      %parallel_loop3A_114 = tpu.vector_load %arg14[%parallel_loop3A_113] {strides = array<i32>} : memref<10016xf32, #tpu.memory_space<vmem>>, vector<16xf32>,
      %parallel_loop3A_115 = arith.constant 0.000000e+00 : f32
      %parallel_loop3A_116 = vector.broadcast %parallel_loop3A_115 : f32 to vector<16xf32>
      %parallel_loop3A_117 = arith.subf %parallel_loop3A_116, %parallel_loop3A_114 : vector<16xf32>
      %parallel_loop3A_118 = math.exp %parallel_loop3A_117 : vector<16xf32>
      %parallel_loop3A_119 = arith.constant 1.000000e+00 : f32
      %parallel_loop3A_120 = vector.broadcast %parallel_loop3A_119 : f32 to vector<16xf32>
      %parallel_loop3A_121 = arith.addf %parallel_loop3A_120, %parallel_loop3A_118 : vector<16xf32>
      %parallel_loop3A_122 = arith.constant 1.000000e+00 : f32
      %parallel_loop3A_123 = vector.broadcast %parallel_loop3A_122 : f32 to vector<16xf32>
      %parallel_loop3A_124 = arith.divf %parallel_loop3A_123, %parallel_loop3A_121 : vector<16xf32>
      %parallel_loop3A_125 = arith.constant 16 : i32
      %parallel_loop3A_126 = arith.muli %parallel_loop3A_110, %parallel_loop3A_125 : i32
      %parallel_loop3A_127 = arith.index_cast %parallel_loop3A_126 : i32 to index
      %parallel_loop3A_128 = tpu.vector_load %arg14[%parallel_loop3A_127] {strides = array<i32>} : memref<10016xf32, #tpu.memory_space<vmem>>, vector<16xf32>,
      tpu.vector_store %arg14[%parallel_loop3A_127], %parallel_loop3A_124 {strides = array<i32>} : memref<10016xf32, #tpu.memory_space<vmem>>, vector<16xf32>,
    } {sc.loop_unroll_factor = 8 : i64, sc.parallel_access}
    %mul3A_108 = arith.constant 10000 : i32
    %mul3A_109 = arith.muli %add3A, %mul3A_108 : i32
    "tpu.region"() ({
      %run_scoped3A = tpu.sem_alloc : memref<!tpu.dma_semaphore, #tpu.memory_space<semaphore_mem>>
      %dma_start3A_110 = arith.constant 0 : i32
      %dma_start3A_111 = tpu.memref_slice %arg14[%dma_start3A_110] : memref<10016xf32, #tpu.memory_space<vmem>> -> memref<10000xf32, #tpu.memory_space<vmem>>
      %dma_start3A_112 = tpu.memref_slice %arg7[%mul3A_109] : memref<320000xf32, #tpu.memory_space<hbm>> -> memref<10000xf32, #tpu.memory_space<hbm>>
      %dma_start3A_113 = tpu.memref_slice %arg7[%mul3A_109] : memref<320000xf32, #tpu.memory_space<hbm>> -> memref<10000xf32, #tpu.memory_space<hbm>>
      %dma_start3A_114 = arith.constant 0 : i32
      %dma_start3A_115 = tpu.memref_slice %arg14[%dma_start3A_114] : memref<10016xf32, #tpu.memory_space<vmem>> -> memref<10000xf32, #tpu.memory_space<vmem>>
      tpu.enqueue_dma source(%dma_start3A_115 : memref<10000xf32, #tpu.memory_space<vmem>>) target(%dma_start3A_113 : memref<10000xf32, #tpu.memory_space<hbm>>) target_semaphore(%run_scoped3A : memref<!tpu.dma_semaphore, #tpu.memory_space<semaphore_mem>>)
      %dma_wait3A = arith.constant 0 : i32
      %dma_wait3A_116 = tpu.memref_slice %arg14[%dma_wait3A] : memref<10016xf32, #tpu.memory_space<vmem>> -> memref<10000xf32, #tpu.memory_space<vmem>>
      %dma_wait3A_117 = tpu.memref_slice %arg7[%mul3A_109] : memref<320000xf32, #tpu.memory_space<hbm>> -> memref<10000xf32, #tpu.memory_space<hbm>>
      %dma_wait3A_118 = tpu.memref_slice %arg7[%mul3A_109] : memref<320000xf32, #tpu.memory_space<hbm>> -> memref<10000xf32, #tpu.memory_space<hbm>>
      %dma_wait3A_119 = arith.constant 0 : i32
      %dma_wait3A_120 = tpu.memref_slice %arg14[%dma_wait3A_119] : memref<10016xf32, #tpu.memory_space<vmem>> -> memref<10000xf32, #tpu.memory_space<vmem>>
      tpu.wait_dma2 semaphore(%run_scoped3A : memref<!tpu.dma_semaphore, #tpu.memory_space<semaphore_mem>>) src(%dma_wait3A_120 : memref<10000xf32, #tpu.memory_space<vmem>>) dst(%dma_wait3A_118 : memref<10000xf32, #tpu.memory_space<hbm>>)
      tpu.yield
    }) : () -> ()
    return
  }
}

</mosaic_0001>

<sc_bundles>
// kernel: kernel.3.cloned.1.call-start
scs
__scs_entry_jumppad:
0x0: {  	(pc) =	sbr.rel $0x88, $3  }
0x1: {  	(tag) =	ssettag $0x0;
	lr =	simm.s32 $0x1  }
0x2: {  	[smem:$0x3F9D] =	sst lr;
	_ =	strace $0xD0000000  }
0x3: {  	_ = 	snop  }
0x4: {  	_ = 	snop  }
0x5: {  	_ = 	snop  }
0x6: {  	_ = 	snop  }
0x7: {  	_ = 	snop  }
__scs_overlays_trampoline_lowered:
0x8: {  	[smem:$0x3FAC] =	sst s0  }
0x9: {  	[smem:$0x3FAD] =	sst s1  }
0xa: {  	[smem:$0x3FAE] =	sst s2  }
0xb: {  	[smem:$0x3FAF] =	sst s3  }
0xc: {  	[smem:$0x3FB0] =	sst s4  }
0xd: {  	[smem:$0x3FB1] =	sst s5  }
0xe: {  	[smem:$0x3FB2] =	sst s6  }
0xf: {  	[smem:$0x3FB3] =	sst s7  }
0x10: {  	[smem:$0x3FB4] =	sst s8  }
0x11: {  	[smem:$0x3FB5] =	sst s9;
	s0 =	simm.s32 @!p0 $0x0  }
0x12: {  	s1 =	sld [smem:$0x3F9B];
	s0 =	simm.s32 @p0 $0x1  }
0x13: {  	[smem:$0x3FB6] =	sst s0;
	s0 =	simm.s32 @!p1 $0x0  }
0x14: {  	s2 =	sld [smem:$0x3F9A];
	s0 =	simm.s32 @p1 $0x1  }
0x15: {  	[smem:$0x3FB7] =	sst s0;
	s0 =	simm.s32 @!p2 $0x0  }
0x16: {  	s3 =	sld [smem:$0x3FDB];
	s0 =	simm.s32 @p2 $0x1  }
0x17: {  	s4 =	simm.s32 $0x1BF5;
	[smem:$0x3FB9] =	sst s0  }
0x18: {  	s0 =	sld [smem:$0x3F9C];
	_ =	swait.ge [sflag:s4], $0x0  }
0x19: {  	s7 =	sld [smem:$0x3F9D]  }
0x1a: {  	s8 =	sadd.s32 $0xFFFFE003, lr  }
0x1b: {  	s9 =	sadd.s32 $0xFFFFFEF7, lr;
	s5 =	simm.s32 $0xFFFFFFFF;
	p2 =	slt.u32 s8, $0xFFFFF086  }
0x1c: {  	p1 =	slt.u32 s9, $0xF7A;
	s5 =	simm.s32 @!p2 $0x0  }
0x1d: {  	s5 =	simm.s32 @p1 $0x1;
	p0 =	seq.s32 s7, s2  }
0x1e: {  	s7 =	smul.u32 @!p0 $0xF7A, s2;
	p2 =	seq.s32 @!p0 s5, $0x0  }
0x1f: {  	s9 =	smul.u32 $0xF7A, s1;
	s8 =	simm.s32 @!p0 $0x1BF5;
	p2 =	por !p2, p0  }
0x20: {  	[sflag:s8] =	ssyncset.s32 @!p0 $0xFFFFF086;
	s6 =	sadd.s32 @!p0 s3, s7;
	s7 =	simm.s32 @!p0 $0x108  }
0x21: {  	s3 =	sadd.s32 s3, s9;
	s6 =	sadd.s32 @!p0 $0x88, s6;
	s7 =	simm.s32 @p2 $0x1082  }
0x22: {  	[simem:s7], [sflag:s8] =	dma.local @!p0 [hbm:s6], $0xF7A  }
0x23: {  	s9 =	sor.u32 $0xD0000000, s2;
	s6 =	simm.s32 $0x108;
	_ =	swait.ge @!p0 [sflag:s8], $0x0  }
0x24: {  	s3 =	sadd.s32 $0x88, s3;
	s6 =	simm.s32 @!p1 $0x1082;
	[sflag:s4] =	ssyncset.s32 $0xFFFFF086  }
0x25: {  	[simem:s6], [sflag:s4] =	dma.local [hbm:s3], $0xF7A  }
0x26: {  	[smem:$0x3F9D] =	sst s1;
	(tag) =	ssettag s2;
	_ =	strace s9  }
0x27: {  	s1 =	sld [smem:$0x3FAD]  }
0x28: {  	s2 =	sld [smem:$0x3FAE]  }
0x29: {  	s4 =	sld [smem:$0x3FB0]  }
0x2a: {  	p0 =	seq.s32 s5, $0x0;
	s5 =	sld [smem:$0x3FB1]  }
0x2b: {  	s6 =	sld [smem:$0x3FB2]  }
0x2c: {  	s7 =	sld [smem:$0x3FB3]  }
0x2d: {  	s3 =	simm.s32 $0x108;
	s8 =	sld [smem:$0x3FB4]  }
0x2e: {  	s3 =	simm.s32 @!p0 $0x1082;
	s9 =	sld [smem:$0x3FB5]  }
0x2f: {  	lr =	sadd.s32 s0, s3;
	s0 =	sld [smem:$0x3FAC]  }
0x30: {  	s3 =	sld [smem:$0x3FAF]  }
0x31: {  	[smem:$0x3FB8] =	sst s10  }
0x32: {  	s10 =	sld [smem:$0x3FB6];
	_ =	sdelay $0x3  }
0x33: {  	p0 =	seq.s32 s10, $0x1;
	s10 =	sld [smem:$0x3FB8];
	_ =	sdelay $0x3  }
0x34: {  	[smem:$0x3FB8] =	sst s10  }
0x35: {  	s10 =	sld [smem:$0x3FB7];
	_ =	sdelay $0x3  }
0x36: {  	p1 =	seq.s32 s10, $0x1;
	s10 =	sld [smem:$0x3FB8];
	_ =	sdelay $0x3  }
0x37: {  	[smem:$0x3FB8] =	sst s10  }
0x38: {  	s10 =	sld [smem:$0x3FB9]  }
0x39: {  	_ = 	snop;
	(pc) =	sbr.ind lr, $3  }
0x3a: {  	_ = 	snop  }
0x3b: {  	_ = 	snop  }
0x3c: {  	p2 =	seq.s32 s10, $0x1;
	s10 =	sld [smem:$0x3FB8]  }
0x3d: {  	_ =	shalt  }
0x3e: {  	_ =	shalt  }
0x3f: {  	_ =	shalt  }
0x40: {  	_ =	shalt  }
0x41: {  	_ =	shalt  }
0x42: {  	_ =	shalt  }
0x43: {  	_ =	shalt  }
0x44: {  	_ =	shalt  }
0x45: {  	_ =	shalt  }
0x46: {  	_ =	shalt  }
0x47: {  	_ =	shalt  }
0x48: {  	_ =	shalt  }
0x49: {  	_ =	shalt  }
0x4a: {  	_ =	shalt  }
0x4b: {  	_ =	shalt  }
0x4c: {  	_ =	shalt  }
0x4d: {  	_ =	shalt  }
0x4e: {  	_ =	shalt  }
0x4f: {  	_ =	shalt  }
0x50: {  	_ =	shalt  }
0x51: {  	_ =	shalt  }
0x52: {  	_ =	shalt  }
0x53: {  	_ =	shalt  }
0x54: {  	_ =	shalt  }
0x55: {  	_ =	shalt  }
0x56: {  	_ =	shalt  }
0x57: {  	_ =	shalt  }
0x58: {  	_ =	shalt  }
0x59: {  	_ =	shalt  }
0x5a: {  	_ =	shalt  }
0x5b: {  	_ =	shalt  }
0x5c: {  	_ =	shalt  }
0x5d: {  	_ =	shalt  }
0x5e: {  	_ =	shalt  }
0x5f: {  	_ =	shalt  }
0x60: {  	_ =	shalt  }
0x61: {  	_ =	shalt  }
0x62: {  	_ =	shalt  }
0x63: {  	_ =	shalt  }
0x64: {  	_ =	shalt  }
0x65: {  	_ =	shalt  }
0x66: {  	_ =	shalt  }
0x67: {  	_ =	shalt  }
0x68: {  	_ =	shalt  }
0x69: {  	_ =	shalt  }
0x6a: {  	_ =	shalt  }
0x6b: {  	_ =	shalt  }
0x6c: {  	_ =	shalt  }
0x6d: {  	_ =	shalt  }
0x6e: {  	_ =	shalt  }
0x6f: {  	_ =	shalt  }
0x70: {  	_ =	shalt  }
0x71: {  	_ =	shalt  }
0x72: {  	_ =	shalt  }
0x73: {  	_ =	shalt  }
0x74: {  	_ =	shalt  }
0x75: {  	_ =	shalt  }
0x76: {  	_ =	shalt  }
0x77: {  	_ =	shalt  }
0x78: {  	_ =	shalt  }
0x79: {  	_ =	shalt  }
0x7a: {  	_ =	shalt  }
0x7b: {  	_ =	shalt  }
0x7c: {  	_ =	shalt  }
0x7d: {  	_ =	shalt  }
0x7e: {  	_ =	shalt  }
0x7f: {  	_ =	shalt  }
0x80: {  	_ =	shalt  }
0x81: {  	_ =	shalt  }
0x82: {  	_ =	shalt  }
0x83: {  	_ =	shalt  }
0x84: {  	_ =	shalt  }
0x85: {  	_ =	shalt  }
0x86: {  	_ =	shalt  }
0x87: {  	_ =	shalt  }
.Lfunc_end0:
.L_simem_size_0:
called_computation_lowered:
.L_overlay_start_0:
0x88: {  	s2 =	sld [smem:$0x3FD9]  }
0x89: {  	s3 =	sld [smem:$0x3FFE];
	_ =	sdelay $0x1  }
0x8a: {  	s1 =	srdreg.scid  }
0x8b: {  	s0 =	sand.u32 $0x1, s1  }
0x8c: {  	s17 =	sshll.u32 s0, $0xA;
	s2 =	sadd.s32 s3, s2  }
0x8d: {  	s2 =	sadd.s32 s2, s17  }
0x8e: {  	[smem:$0x3FC4] =	sst s2  }
0x8f: {  	_ = 	snop  }
0x90: {  	s2 =	sld [smem:$0x3FC9]  }
0x91: {  	s18 =	sld [smem:$0x3FC6]  }
0x92: {  	s4 =	sld [smem:$0x3FD0];
	(tm) =	ssettm $0x1  }
0x93: {  	s5 =	sld [smem:$0x3FFB];
	_ =	sdelay $0x3  }
0x94: {  	_ =	strace s5  }
0x95: {  	s5 =	sld [smem:$0x3FFC];
	_ =	sdelay $0x3  }
0x96: {  	_ =	strace s5  }
0x97: {  	s5 =	sld [smem:$0x3FFD];
	_ =	sdelay $0x3  }
0x98: {  	_ =	strace s5  }
0x99: {  	_ =	strace $0x8FFFFFFF  }
0x9a: {  	s19 =	sld [smem:$0x3FDB];
	_ =	sdelay $0x1  }
0x9b: {  	s6 =	simm.s32 $_scs_section_size  }
0x9c: {  	s7 =	simm.s32 $_size__tile_overlayer_lowered;
	s8 =	simm.s32 $_tile_overlayer_lowered  }
0x9d: {  	s22 =	simm.s32 $0x1BFF;
	s21 =	sshll.u32 s8, $0x1;
	s5 =	sadd.s32 s6, s19  }
0x9e: {  	s9 =	simm.s32 $0x0;
	s20 =	sshll.u32 s7, $0x1;
	s7 =	sadd.s32 s21, s5  }
0x9f: {  	[timem:s9], [sflag:s22] =	dma.local [hbm:s7], s20  }
0xa0: {  	_ =	swait.ge [sflag:s22], s20  }
0xa1: {  	s6 =	ssub.s32 $0x0, s20;
	[sflag:s22] =	ssyncset.done $0x0  }
0xa2: {  	[sflag:s22] =	ssyncadd.s32 s6;
	_ =	sdelay $0x1  }
0xa3: {  	s23 =	simm.s32 $0x1B8B  }
0xa4: {  	_ =	swait.ge [sflag:s23], $0x1  }
0xa5: {  	[sflag:s23] =	ssyncset.done $0x0  }
0xa6: {  	s25 =	simm.s32 $0x1B8E;
	s24 =	sld [smem:$0x3FFE];
	[sflag:s23] =	ssyncadd.s32 $0xFFFFFFFF  }
0xa7: {  	s26 =	simm.s32 $execute0_lowered;
	[smem:$0x3FD2] =	sst s25  }
0xa8: {  	s7 =	sshll.u32 s26, $0x1;
	_ =	strace $0x80000046;
	[dreg:$0x1] =	wrdreg $0xFFFFFFFF  }
0xa9: {  	s28 =	simm.s32 $_size_execute0_lowered;
	s5 =	sadd.s32 s5, s7;
	[dreg:$0x0] =	wrdreg $0x0  }
0xaa: {  	s7 =	sshll.u32 s28, $0x1;
	[dreg:$0x2] =	wrdreg s5  }
0xab: {  	[dreg:$0x3] =	wrdreg s7  }
0xac: {  	[dreg:$0x4] =	wrdreg $0xC0  }
0xad: {  	_ =	task [dreg:s9], $0x5FFFF  }
0xae: {  	[dreg:$0x1] =	wrdreg $0xFFFFFFFF  }
0xaf: {  	[dreg:$0x0] =	wrdreg $0x60  }
0xb0: {  	[dreg:$0x2] =	wrdreg s24  }
0xb1: {  	[dreg:$0x3] =	wrdreg s2  }
0xb2: {  	[dreg:$0x4] =	wrdreg s18  }
0xb3: {  	[dreg:$0x5] =	wrdreg s4  }
0xb4: {  	[dreg:$0x6] =	wrdreg $0x9  }
0xb5: {  	_ =	task.clear_ibuf [dreg:s9], $0x7FFFF;
	_ =	strace $0x90000046  }
0xb6: {  	s29 =	simm.s32 $0x9;
	_ =	strace $0x80000048  }
0xb7: {  	_ =	swait.ge [sflag:s29], $0x1  }
0xb8: {  	[sflag:s29] =	ssyncadd.s32 $0xFFFFFFFF  }
0xb9: {  	_ =	strace $0x90000048  }
0xba: {  	_ =	sfence  }
0xbb: {  	s30 =	sld [smem:$0x0];
	_ =	sdelay $0x2  }
0xbc: {  	s31 =	sshll.u32 s1, $0xD;
	s1 =	sshrl.u32 s1, $0x2  }
0xbd: {  	s3 =	sand.u32 $0x4000, s31;
	s1 =	sadd.s32 s1, s30  }
0xbe: {  	s0 =	sor.u32 s3, s0;
	s1 =	sshll.u32 s1, $0x11  }
0xbf: {  	s0 =	sor.u32 s1, s0  }
0xc0: {  	s0 =	sadd.s32 $0x8F2B, s0  }
0xc1: {  	[sflag:s0] =	ssyncadd.remote.s32 $0x1  }
0xc2: {  	_ =	sfence.sel $0xFFFF  }
0xc3: {  	[dreg:$0x0] =	wrdreg $0xFFFFFFFF;
	(pc) =	sbr.abs _section_cstart, $3  }
0xc4: {  	[dreg:$0x1] =	wrdreg $0xFFFFFFFF  }
0xc5: {  	_ =	task.clear_ibuf [dreg:s9], $0x2FFFF;
	_ =	strace $0x9FFFFFFF  }
0xc6: {  	(tm) =	ssettm $0x7FFFFFFF  }
0xc7: {  	_ =	shalt  }
tec
execute0_lowered:
.L_overlay_start_1:
0x0: {  	(tag) =	ssettag $0x1  }
0x1: {  	s0 =	rddreg [dreg:$0x0]  }
0x2: {  	s1 =	rddreg [dreg:$0x1];
	s2 =	srdreg.scid  }
0x3: {  	s4 =	stileid.u32;
	s3 =	rddreg [dreg:$0x3]  }
0x4: {  	s10 =	simm.s32 $0xA780;
	s11 =	simm.s32 $0x4;
	s12 =	simm.s32 $0x4000  }
0x5: {  	s14 =	simm.s32 $0x50;
	s18 =	simm.s32 $0xEF80;
	s20 =	simm.s32 $0x16780  }
0x6: {  	s23 =	simm.s32 $0x4100;
	s24 =	simm.s32 $0x18F80;
	s25 =	simm.s32 $0x1  }
0x7: {  	s26 =	simm.s32 $0x2;
	s28 =	simm.s32 $0x1B780;
	s29 =	simm.s32 $0x3  }
0x8: {  	s2 =	sand.u32 $0x1, s2;
	s5 =	sshll.u32 s4, $0x1;
	s4 =	simm.s32 $0x0  }
0x9: {  	s30 =	simm.s32 $0x0;
	s5 =	sor.u32 s2, s5;
	[smem:$0x7FF] =	sst s4  }
0xa: {  	v0 =	vlaneseq.u32;
	s2 =	ssub.s32 $0x2, s2;
	s8 =	smul.u32 $0x4E2, s5;
	s5 =	sshll.u32 s5, $0xB  }
0xb: {  	v1 =	vimm.s32 $0x0;
	vm0 =	vcmask $0x3F3C;
	v2 =	vor.u32 $0x10, v0;
	_ =	strace $0x80000047;
	s6 =	sshrl.u32 s2, $0x1;
	s5 =	sadd.s32 s0, s5  }
0xc: {  	v3 =	vor.u32 $0x20, v0;
	v4 =	vor.u32 $0x30, v0;
	v5 =	vor.u32 $0x40, v0;
	s2 =	ssub.s32 s2, s6;
	s7 =	sadd.s32 s8, s0;
	s6 =	sadd.s32 $0x10000, s5  }
0xd: {  	v6 =	vor.u32 $0x50, v0;
	v7 =	vor.u32 $0x60, v0;
	v8 =	vor.u32 $0x70, v0;
	s8 =	sadd.s32 s3, s8;
	s9 =	smax.u32 s2, $0x1;
	s7 =	sadd.s32 $0x20000, s7  }
.LBB2_1:
0xe: {  	s0 =	rddreg [dreg:$0x2]  }
0xf: {  	[tilespmem:s10], [sflag:$0x4] =	stream.linear.gather [hbm4b:s0+s4], $0x2000, $0x38;
	[tilespmem:$0x1DF00] =	vst v63  }
0x10: {  	_ =	swait.ge [sflag:s11], $0x2000  }
0x11: {  	[sflag:s11] =	ssyncset.done $0x0  }
0x12: {  	[sflag:s11] =	ssyncadd.s32 $0xFFFFE000  }
0x13: {  	[tilespmem:s4], [sflag:$0x4] =	stream.linear.gather [hbm4b:s6+s4], $0x3E80, $0x38;
	[tilespmem:$0x1DF00] =	vst v63  }
0x14: {  	_ =	swait.ge [sflag:s11], $0x3E80  }
0x15: {  	[sflag:s11] =	ssyncset.done $0x0  }
0x16: {  	[sflag:s11] =	ssyncadd.s32 $0xFFFFC180  }
0x17: {  	[tilespmem:s12], [sflag:$0x4] =	stream.linear.gather [hbm4b:s5+s4], $0x3E80, $0x38;
	[tilespmem:$0x1DF00] =	vst v63  }
0x18: {  	_ =	swait.ge [sflag:s11], $0x3E80  }
0x19: {  	[sflag:s11] =	ssyncset.done $0x0  }
0x1a: {  	s15 =	simm.s32 $0x8000;
	[sflag:s11] =	ssyncadd.s32 $0xFFFFC180  }
0x1b: {  	[tilespmem:s15], [sflag:$0x4] =	stream.linear.gather [hbm4b:s7+s4], $0x2720, $0x38;
	[tilespmem:$0x1DF00] =	vst v63  }
0x1c: {  	_ =	swait.ge [sflag:s11], $0x2720  }
0x1d: {  	[sflag:s11] =	ssyncset.done $0x0  }
0x1e: {  	s16 =	simm.s32 $0xC780;
	[sflag:s11] =	ssyncadd.s32 $0xFFFFD8E0  }
0x1f: {  	[tilespmem:s16], [sflag:$0x1] =	stream.indirect.gather [hbm4b:s1+s14], $0x80, s4, s14, $0xb8;
	[tilespmem:$0x1DF00] =	vst v63  }
0x20: {  	s17 =	simm.s32 $0x13F80  }
0x21: {  	[tilespmem:s17], [sflag:$0x1] =	stream.indirect.gather [hbm4b:s1+s14], $0x80, s12, s14, $0xb8;
	[tilespmem:$0x1DF00] =	vst v63  }
0x22: {  	s19 =	simm.s32 $0x80  }
0x23: {  	[tilespmem:s18], [sflag:$0x2] =	stream.indirect.gather [hbm4b:s1+s14], $0x80, s19, s14, $0xb8;
	[tilespmem:$0x1DF00] =	vst v63  }
0x24: {  	s21 =	simm.s32 $0x4080  }
0x25: {  	[tilespmem:s20], [sflag:$0x2] =	stream.indirect.gather [hbm4b:s1+s14], $0x80, s21, s14, $0xb8;
	[tilespmem:$0x1DF00] =	vst v63  }
0x26: {  	s22 =	simm.s32 $0x100;
	s2 =	simm.s32 $0x11780;
	s31 =	simm.s32 $0x1B820  }
0x27: {  	[tilespmem:s2], [sflag:$0x3] =	stream.indirect.gather [hbm4b:s1+s14], $0x80, s22, s14, $0xb8;
	[tilespmem:$0x1DF00] =	vst v63  }
0x28: {  	s3 =	simm.s32 $0x0;
	s21 =	simm.s32 $0x0;
	s2 =	simm.s32 $0x80A3  }
0x29: {  	[tilespmem:s24], [sflag:$0x3] =	stream.indirect.gather [hbm4b:s1+s14], $0x80, s23, s14, $0xb8;
	[tilespmem:$0x1DF00] =	vst v63  }
.LBB2_2:
0x2a: {  	_ =	swait.ge [sflag:s25], $0x2800  }
0x2b: {  	[sflag:s25] =	ssyncset.done $0x0  }
0x2c: {  	[sflag:s25] =	ssyncadd.s32 $0xFFFFD800  }
0x2d: {  	_ =	swait.ge [sflag:s25], $0x2800  }
0x2e: {  	[sflag:s25] =	ssyncset.done $0x0  }
0x2f: {  	s0 =	simm.s32 $0xC880;
	[sflag:s25] =	ssyncadd.s32 $0xFFFFD800  }
0x30: {  	v9 =	vld [tilespmem:s0+$0xE0];
	_ =	sdelay $0x4  }
0x31: {  	s15 =	simm.s32 $0x14080;
	[tilespmem:$0x1FF30] =	vst v9  }
0x32: {  	v9 =	vld [tilespmem:s15+$0xE0];
	_ =	sdelay $0x4  }
0x33: {  	[tilespmem:$0x1FF40] =	vst v9  }
0x34: {  	v9 =	vld [tilespmem:s0+$0xF0];
	_ =	sdelay $0x4  }
0x35: {  	[tilespmem:$0x1FF50] =	vst v9  }
0x36: {  	v9 =	vld [tilespmem:s15+$0xF0];
	_ =	sdelay $0x4  }
0x37: {  	s16 =	sshra.s32 s21, $0x2;
	[tilespmem:$0x1FF60] =	vst v9  }
0x38: {  	v13 =	vld [tilespmem:s16+$0x8003]  }
0x39: {  	v42 =	vld [tilespmem:s0+$0xC0]  }
0x3a: {  	v38 =	vld [tilespmem:s15+$0xC0]  }
0x3b: {  	v41 =	vld [tilespmem:s0+$0xD0]  }
0x3c: {  	v40 =	vld [tilespmem:s15+$0xD0]  }
0x3d: {  	v37 =	vld [tilespmem:s0+$0x80];
	v13 =	vperm.xlane v13, v1  }
0x3e: {  	v19 =	vld [tilespmem:s15+$0x80]  }
0x3f: {  	v20 =	vld [tilespmem:s0+$0x90];
	v13 =	vshll.u32 v13, $0x7  }
0x40: {  	v22 =	vld [tilespmem:s15+$0x90];
	v21 =	vor.u32 v0, v13;
	v23 =	vor.u32 v2, v13  }
0x41: {  	v24 =	vld [tilespmem:s0+$0xA0];
	v26 =	vor.u32 v3, v13;
	v28 =	vor.u32 v4, v13;
	v30 =	vor.u32 v5, v13  }
0x42: {  	v25 =	vld [tilespmem:s15+$0xA0];
	v31 =	vor.u32 v6, v13;
	v32 =	vor.u32 v7, v13;
	v13 =	vor.u32 v8, v13  }
0x43: {  	v27 =	vld [tilespmem:s0+$0xB0]  }
0x44: {  	v29 =	vld [tilespmem:s15+$0xB0]  }
0x45: {  	v21 =	vld.idx.msk [tilespmem:v21+s10+$0x0], $0xffff  }
0x46: {  	v23 =	vld.idx.msk [tilespmem:v23+s10+$0x0], $0xffff  }
0x47: {  	v9 =	vld.idx.msk [tilespmem:v13+s10+$0x0], $0xffff  }
0x48: {  	v26 =	vld.idx.msk [tilespmem:v26+s10+$0x0], $0xffff  }
0x49: {  	v28 =	vld.idx.msk [tilespmem:v28+s10+$0x0], $0xffff  }
0x4a: {  	v30 =	vld.idx.msk [tilespmem:v30+s10+$0x0], $0xffff  }
0x4b: {  	v31 =	vld.idx.msk [tilespmem:v31+s10+$0x0], $0xffff  }
0x4c: {  	v39 =	vld.idx.msk [tilespmem:v32+s10+$0x0], $0xffff;
	[tilespmem:$0x1FF70] =	vst v9  }
0x4d: {  	v9 =	vld [tilespmem:s0+$0xFFFFFF00];
	_ =	sdelay $0x2  }
0x4e: {  	v33 =	vld [tilespmem:s16+$0x8000]  }
0x4f: {  	v34 =	vld [tilespmem:s16+$0x8001]  }
0x50: {  	v35 =	vld [tilespmem:s16+$0x8002];
	[tilespmem:$0x1FF80] =	vst v9  }
0x51: {  	v9 =	vld [tilespmem:s15+$0xFFFFFF00];
	_ =	sdelay $0x4  }
0x52: {  	[tilespmem:$0x1FF90] =	vst v9  }
0x53: {  	v9 =	vld [tilespmem:s0+$0xFFFFFF10];
	_ =	sdelay $0x4  }
0x54: {  	[tilespmem:$0x1FFA0] =	vst v9  }
0x55: {  	v9 =	vld [tilespmem:s0+$0xFFFFFF20];
	_ =	sdelay $0x4  }
0x56: {  	v44 =	vld [tilespmem:s15+$0xFFFFFF10];
	[tilespmem:$0x1FFB0] =	vst v9  }
0x57: {  	v9 =	vld [tilespmem:s15+$0xFFFFFF20];
	_ =	sdelay $0x4  }
0x58: {  	[tilespmem:$0x1FFC0] =	vst v9  }
0x59: {  	v9 =	vld [tilespmem:s0+$0xFFFFFF30];
	_ =	sdelay $0x4  }
0x5a: {  	[tilespmem:$0x1FFD0] =	vst v9  }
0x5b: {  	v9 =	vld [tilespmem:s0+$0xFFFFFF80]  }
0x5c: {  	v20 =	vmul.f32 v22, v20  }
0x5d: {  	v22 =	vmul.f32 v25, v24;
	v25 =	vmul.f32 v29, v27  }
0x5e: {  	v40 =	vmul.f32 v40, v41  }
0x5f: {  	v48 =	vld [tilespmem:$0x1FF40];
	v20 =	vmul.f32 v23, v20;
	v25 =	vmul.f32 v28, v25  }
0x60: {  	v43 =	vld [tilespmem:s15+$0xFFFFFF30];
	[tilespmem:$0x1FFE0] =	vst v9  }
0x61: {  	v20 =	vadd.f32 v25, v20;
	v25 =	vmul.f32 v31, v40;
	v9 =	vld [tilespmem:s0+$0xFFFFFFA0]  }
0x62: {  	v41 =	vld [tilespmem:$0x1FF60]  }
0x63: {  	v20 =	vadd.f32 v25, v20;
	v25 =	vld [tilespmem:$0x1FF70]  }
0x64: {  	v45 =	vld [tilespmem:s15+$0xFFFFFF80]  }
0x65: {  	v46 =	vld [tilespmem:s0+$0xFFFFFF90]  }
0x66: {  	v47 =	vld [tilespmem:s15+$0xFFFFFF90];
	[tilespmem:$0x1FFF0] =	vst v9  }
0x67: {  	v49 =	vld [tilespmem:s15+$0xFFFFFFA0]  }
0x68: {  	v50 =	vld [tilespmem:s0+$0xFFFFFFB0]  }
0x69: {  	v51 =	vld [tilespmem:s15+$0xFFFFFFB0]  }
0x6a: {  	v33 =	vperm.xlane v33, v1;
	v52 =	vld [tilespmem:s0+$0x0]  }
0x6b: {  	v53 =	vld [tilespmem:s15+$0x0]  }
0x6c: {  	v34 =	vperm.xlane v34, v1;
	v33 =	vshll.u32 v33, $0x7;
	v54 =	vld [tilespmem:s0+$0x10]  }
0x6d: {  	v55 =	vor.u32 v0, v33;
	v56 =	vld [tilespmem:s15+$0x10]  }
0x6e: {  	v34 =	vshll.u32 v34, $0x7;
	v57 =	vor.u32 v2, v33;
	v58 =	vld [tilespmem:s0+$0x20]  }
0x6f: {  	v9 =	vor.u32 v2, v34;
	v60 =	vld [tilespmem:s15+$0x20]  }
0x70: {  	v59 =	vor.u32 v3, v33;
	v62 =	vld [tilespmem:s0+$0x30]  }
0x71: {  	v35 =	vperm.xlane v35, v1;
	v61 =	vor.u32 v4, v33;
	v16 =	vld [tilespmem:s15+$0x30]  }
0x72: {  	v63 =	vor.u32 v0, v34;
	v55 =	vld.idx.msk [tilespmem:v55+s10+$0x0], $0xffff  }
0x73: {  	v35 =	vshll.u32 v35, $0x7;
	v14 =	vor.u32 v3, v34;
	v57 =	vld.idx.msk [tilespmem:v57+s10+$0x0], $0xffff  }
0x74: {  	v15 =	vld.idx.msk [tilespmem:v9+s10+$0x0], $0xffff;
	v9 =	vor.u32 v4, v35  }
0x75: {  	v59 =	vld.idx.msk [tilespmem:v59+s10+$0x0], $0xffff  }
0x76: {  	v13 =	vor.u32 v4, v34;
	v61 =	vld.idx.msk [tilespmem:v61+s10+$0x0], $0xffff  }
0x77: {  	v12 =	vor.u32 v0, v35;
	v63 =	vld.idx.msk [tilespmem:v63+s10+$0x0], $0xffff  }
0x78: {  	v11 =	vor.u32 v2, v35;
	v14 =	vld.idx.msk [tilespmem:v14+s10+$0x0], $0xffff  }
0x79: {  	v10 =	vor.u32 v3, v35;
	v17 =	vld.idx.msk [tilespmem:v9+s10+$0x0], $0xffff  }
0x7a: {  	v9 =	vld [tilespmem:$0x1FF30]  }
0x7b: {  	v19 =	vmul.f32 v19, v37;
	v13 =	vld.idx.msk [tilespmem:v13+s10+$0x0], $0xffff  }
0x7c: {  	v38 =	vmul.f32 v38, v42;
	v12 =	vld.idx.msk [tilespmem:v12+s10+$0x0], $0xffff  }
0x7d: {  	v19 =	vmul.f32 v21, v19;
	v22 =	vmul.f32 v26, v22;
	v11 =	vld.idx.msk [tilespmem:v11+s10+$0x0], $0xffff  }
0x7e: {  	v10 =	vld.idx.msk [tilespmem:v10+s10+$0x0], $0xffff  }
0x7f: {  	v27 =	vmul.f32 v30, v38;
	v19 =	vadd.f32 v22, v19;
	v9 =	vmul.f32 v48, v9;
	v48 =	vld [tilespmem:$0x1FF50]  }
0x80: {  	v36 =	vld [tilespmem:s0+$0xFFFFFF40]  }
0x81: {  	v19 =	vadd.f32 v27, v19;
	v18 =	vld [tilespmem:s15+$0xFFFFFF40];
	v9 =	vmul.f32 v39, v9  }
0x82: {  	v32 =	vld [tilespmem:s0+$0xFFFFFF50]  }
0x83: {  	v9 =	vadd.f32 v9, v19;
	v19 =	vld [tilespmem:$0x1FF80]  }
0x84: {  	v30 =	vmul.f32 v41, v48;
	v48 =	vld [tilespmem:$0x1FF90]  }
0x85: {  	v42 =	vld [tilespmem:s15+$0xFFFFFF50]  }
0x86: {  	v37 =	vld [tilespmem:s0+$0xFFFFFFC0]  }
0x87: {  	v24 =	vld [tilespmem:s15+$0xFFFFFFC0]  }
0x88: {  	v21 =	vld [tilespmem:s0+$0xFFFFFFD0]  }
0x89: {  	v19 =	vmul.f32 v48, v19;
	v48 =	vld [tilespmem:$0x1FFA0]  }
0x8a: {  	v26 =	vld [tilespmem:s15+$0xFFFFFFD0]  }
0x8b: {  	v23 =	vor.u32 v5, v33;
	v29 =	vld [tilespmem:s0+$0x40];
	v25 =	vmul.f32 v25, v30  }
0x8c: {  	v28 =	vor.u32 v6, v33;
	v38 =	vld [tilespmem:s15+$0x40]  }
0x8d: {  	v22 =	vor.u32 v5, v34;
	v20 =	vadd.f32 v25, v20;
	v25 =	vld [tilespmem:$0x1FFB0]  }
0x8e: {  	v41 =	vmul.f32 v44, v48;
	v48 =	vld [tilespmem:$0x1FFC0]  }
0x8f: {  	v31 =	vor.u32 v6, v34;
	v40 =	vld [tilespmem:s0+$0x50]  }
0x90: {  	v27 =	vor.u32 v5, v35;
	v23 =	vld.idx.msk [tilespmem:v23+s10+$0x0], $0xffff  }
0x91: {  	v28 =	vld.idx.msk [tilespmem:v28+s10+$0x0], $0xffff  }
0x92: {  	v22 =	vld.idx.msk [tilespmem:v22+s10+$0x0], $0xffff  }
0x93: {  	v25 =	vmul.f32 v48, v25;
	v48 =	vld [tilespmem:$0x1FFD0]  }
0x94: {  	v31 =	vld.idx.msk [tilespmem:v31+s10+$0x0], $0xffff;
	v9 =	vadd.f32 v20, v9  }
0x95: {  	v27 =	vld.idx.msk [tilespmem:v27+s10+$0x0], $0xffff;
	v30 =	vor.u32 v6, v35  }
0x96: {  	v16 =	vmul.f32 v16, v62;
	v62 =	vld [tilespmem:s0+$0x70];
	(xrf2) =	vadd.scan.msk.f32 $0xffff, v9  }
0x97: {  	v24 =	vmul.f32 v24, v37;
	v21 =	vmul.f32 v26, v21;
	v20 =	vld [tilespmem:$0x1FFF0]  }
0x98: {  	v9 =	vmul.f32 v60, v58;
	v43 =	vmul.f32 v43, v48;
	v48 =	vld [tilespmem:$0x1FFE0]  }
0x99: {  	v29 =	vmul.f32 v38, v29;
	v22 =	vmul.f32 v22, v24;
	v39 =	vld [tilespmem:s15+$0x50]  }
0x9a: {  	v30 =	vld.idx.msk [tilespmem:v30+s10+$0x0], $0xffff;
	v19 =	vmul.f32 v55, v19;
	v9 =	vmul.f32 v10, v9  }
0x9b: {  	v55 =	vld [tilespmem:s0+$0xFFFFFFE0];
	v10 =	vmul.f32 v17, v16;
	v17 =	vmul.f32 v18, v36  }
0x9c: {  	v58 =	vld [tilespmem:s15+$0xFFFFFFF0];
	v16 =	vor.u32 v7, v34;
	v18 =	vmul.f32 v42, v32;
	v20 =	vmul.f32 v49, v20  }
0x9d: {  	v49 =	vld [tilespmem:s0+$0xFFFFFF60];
	v41 =	vmul.f32 v57, v41;
	v44 =	vmul.f32 v45, v48  }
0x9e: {  	v60 =	vor.u32 v7, v35;
	v57 =	vld [tilespmem:s0+$0xFFFFFFF0];
	v45 =	vmul.f32 v47, v46;
	v46 =	vmul.f32 v51, v50  }
0x9f: {  	v35 =	vor.u32 v8, v35;
	v14 =	vmul.f32 v14, v20;
	v20 =	vld [tilespmem:s15+$0xFFFFFF70];
	v25 =	vmul.f32 v59, v25  }
0xa0: {  	v34 =	vor.u32 v8, v34;
	v59 =	vld [tilespmem:s0+$0x60];
	v26, _, _ =	vpop (xrf2);
	v15 =	vmul.f32 v15, v45;
	v13 =	vmul.f32 v13, v46  }
0xa1: {  	[tilespmem:s16+$0x1B783] =	vst.msk vm0, v26;
	v26 =	vld.idx.msk [tilespmem:v16+s10+$0x0], $0xffff;
	v43 =	vmul.f32 v61, v43;
	v47 =	vmul.f32 v53, v52  }
0xa2: {  	v48 =	vmul.f32 v56, v54;
	v56 =	vld [tilespmem:s15+$0xFFFFFFE0];
	v13 =	vadd.f32 v13, v15;
	v15 =	vor.u32 v7, v33  }
0xa3: {  	v50 =	vld [tilespmem:s15+$0xFFFFFF60];
	v44 =	vmul.f32 v63, v44;
	v12 =	vmul.f32 v12, v47;
	v33 =	vor.u32 v8, v33  }
0xa4: {  	v19 =	vadd.f32 v25, v19;
	v61 =	vld [tilespmem:s15+$0x60];
	v25 =	vadd.f32 v43, v41;
	v11 =	vmul.f32 v11, v48  }
0xa5: {  	v54 =	vld [tilespmem:s0+$0xFFFFFF70];
	v14 =	vadd.f32 v14, v44;
	v9 =	vadd.f32 v9, v12;
	v12 =	vmul.f32 v23, v17  }
0xa6: {  	v63 =	vld [tilespmem:s15+$0x70];
	v17 =	vmul.f32 v28, v18;
	v10 =	vadd.f32 v10, v11;
	v11 =	vmul.f32 v39, v40  }
0xa7: {  	v23 =	vmul.f32 v56, v55;
	v18 =	vadd.f32 v12, v19;
	v12 =	vmul.f32 v31, v21;
	v24 =	vld.idx.msk [tilespmem:v15+s10+$0x0], $0xffff  }
0xa8: {  	v11 =	vmul.f32 v30, v11;
	v21 =	vmul.f32 v50, v49;
	v15 =	vadd.f32 v17, v25;
	v25 =	vld.idx.msk [tilespmem:v33+s10+$0x0], $0xffff  }
0xa9: {  	v16 =	vadd.f32 v12, v13;
	v13 =	vld.idx.msk [tilespmem:v34+s10+$0x0], $0xffff;
	v17 =	vadd.f32 v22, v14;
	v14 =	vmul.f32 v27, v29  }
0xaa: {  	s17 =	simm.s32 $0x0;
	v12 =	vmul.f32 v61, v59;
	v22 =	vmul.f32 v20, v54;
	v20 =	vadd.f32 v11, v10;
	v11 =	vld.idx.msk [tilespmem:v35+s10+$0x0], $0xffff  }
0xab: {  	s19 =	simm.s32 $0xCA80;
	s13 =	smov.u32 s16;
	s0 =	smov.u32 s21;
	v10 =	vmul.f32 v63, v62;
	v19 =	vadd.f32 v14, v9;
	v9 =	vmul.f32 v58, v57;
	v14 =	vld.idx.msk [tilespmem:v60+s10+$0x0], $0xffff  }
.LBB2_3:
0xac: {  	v27 =	vld [tilespmem:s19+$0xE0];
	v21 =	vmul.f32 v24, v21;
	s15 =	sadd.s32 $0x200, s15  }
0xad: {  	v22 =	vmul.f32 v25, v22;
	v24 =	vld [tilespmem:s15+$0xE0]  }
0xae: {  	s0 =	sadd.s32 $0x10, s0;
	v25 =	vld [tilespmem:s19+$0xF0];
	v18 =	vadd.f32 v21, v18;
	v21 =	vmul.f32 v26, v23  }
0xaf: {  	s22 =	sshra.s32 s0, $0x2;
	v15 =	vadd.f32 v22, v15;
	v9 =	vmul.f32 v13, v9;
	v23 =	vld [tilespmem:s15+$0xF0]  }
0xb0: {  	v12 =	vmul.f32 v14, v12;
	v13 =	vld [tilespmem:s22+$0x8003];
	v17 =	vadd.f32 v21, v17  }
0xb1: {  	v15 =	vadd.f32 v15, v18;
	v9 =	vadd.f32 v9, v16;
	v10 =	vmul.f32 v11, v10;
	v14 =	vld [tilespmem:s19+$0xC0]  }
0xb2: {  	s17 =	sadd.s32 $0x4, s17;
	v12 =	vadd.f32 v12, v19;
	v11 =	vld [tilespmem:s15+$0xC0]  }
0xb3: {  	p0 =	slt.u32 s17, $0x4C;
	v9 =	vadd.f32 v9, v17;
	v10 =	vadd.f32 v10, v20;
	v16 =	vld [tilespmem:s19+$0xD0];
	(xrf2) =	vadd.scan.msk.f32 $0xffff, v15  }
0xb4: {  	v15 =	vld [tilespmem:s15+$0xD0]  }
0xb5: {  	v10 =	vadd.f32 v10, v12;
	v13 =	vperm.xlane v13, v1;
	v17 =	vld [tilespmem:s19+$0x80]  }
0xb6: {  	v12 =	vld [tilespmem:s15+$0x80];
	(xrf2) =	vadd.scan.msk.f32 $0xffff, v9  }
0xb7: {  	v9 =	vshll.u32 v13, $0x7;
	v13 =	vld [tilespmem:s19+$0x90]  }
0xb8: {  	v18 =	vor.u32 v0, v9;
	v19 =	vld [tilespmem:s15+$0x90]  }
0xb9: {  	v20 =	vor.u32 v2, v9;
	v21 =	vld [tilespmem:s19+$0xA0];
	(xrf2) =	vadd.scan.msk.f32 $0xffff, v10  }
0xba: {  	v22 =	vor.u32 v3, v9;
	v10 =	vld [tilespmem:s15+$0xA0]  }
0xbb: {  	v28 =	vor.u32 v4, v9;
	v26 =	vld [tilespmem:s19+$0xB0]  }
0xbc: {  	v30 =	vor.u32 v5, v9;
	v29 =	vld [tilespmem:s15+$0xB0]  }
0xbd: {  	v31 =	vor.u32 v6, v9;
	v18 =	vld.idx.msk [tilespmem:v18+s10+$0x0], $0xffff;
	v32, _, _ =	vpop (xrf2)  }
0xbe: {  	v33 =	vor.u32 v7, v9;
	v20 =	vld.idx.msk [tilespmem:v20+s10+$0x0], $0xffff;
	[tilespmem:s13+$0x1B780] =	vst.msk vm0, v32  }
0xbf: {  	v9 =	vor.u32 v8, v9;
	v22 =	vld.idx.msk [tilespmem:v22+s10+$0x0], $0xffff  }
0xc0: {  	v28 =	vld.idx.msk [tilespmem:v28+s10+$0x0], $0xffff;
	v32, _, _ =	vpop (xrf2)  }
0xc1: {  	v24 =	vmul.f32 v24, v27;
	v30 =	vld.idx.msk [tilespmem:v30+s10+$0x0], $0xffff;
	[tilespmem:s13+$0x1B781] =	vst.msk vm0, v32  }
0xc2: {  	v11 =	vmul.f32 v11, v14;
	v15 =	vmul.f32 v15, v16;
	v14 =	vld.idx.msk [tilespmem:v31+s10+$0x0], $0xffff  }
0xc3: {  	v12 =	vmul.f32 v12, v17;
	v13 =	vmul.f32 v19, v13;
	v16 =	vld.idx.msk [tilespmem:v33+s10+$0x0], $0xffff;
	v17, _, _ =	vpop (xrf2)  }
0xc4: {  	v10 =	vmul.f32 v10, v21;
	v19 =	vmul.f32 v29, v26;
	v9 =	vld.idx.msk [tilespmem:v9+s10+$0x0], $0xffff;
	[tilespmem:s13+$0x1B782] =	vst.msk vm0, v17;
	s13 =	smov.u32 s22  }
0xc5: {  	v12 =	vmul.f32 v18, v12;
	v13 =	vmul.f32 v20, v13;
	v17 =	vld [tilespmem:s13+$0x8000]  }
0xc6: {  	v10 =	vmul.f32 v22, v10;
	v19 =	vmul.f32 v28, v19;
	v18 =	vld [tilespmem:s13+$0x8001]  }
0xc7: {  	v21 =	vmul.f32 v23, v25;
	v11 =	vmul.f32 v30, v11;
	v20 =	vld [tilespmem:s13+$0x8002]  }
0xc8: {  	v10 =	vadd.f32 v10, v12;
	v12 =	vadd.f32 v19, v13;
	v13 =	vmul.f32 v14, v15;
	v22 =	vld [tilespmem:s19+$0xFFFFFF00]  }
0xc9: {  	v15 =	vmul.f32 v16, v24;
	v14 =	vld [tilespmem:s15+$0xFFFFFF00]  }
0xca: {  	v10 =	vadd.f32 v11, v10;
	v11 =	vadd.f32 v13, v12;
	v9 =	vmul.f32 v9, v21;
	v16 =	vld [tilespmem:s19+$0xFFFFFF10]  }
0xcb: {  	v12 =	vperm.xlane v17, v1;
	v17 =	vld [tilespmem:s15+$0xFFFFFF10];
	v13 =	vperm.xlane v18, v1  }
0xcc: {  	v10 =	vadd.f32 v15, v10;
	v9 =	vadd.f32 v9, v11;
	v18 =	vld [tilespmem:s19+$0xFFFFFF20];
	v19 =	vperm.xlane v20, v1  }
0xcd: {  	v11 =	vshll.u32 v12, $0x7;
	v15 =	vld [tilespmem:s15+$0xFFFFFF20];
	v20 =	vshll.u32 v13, $0x7  }
0xce: {  	v21 =	vor.u32 v0, v11;
	v9 =	vadd.f32 v9, v10;
	v23 =	vld [tilespmem:s19+$0xFFFFFF30];
	v19 =	vshll.u32 v19, $0x7  }
0xcf: {  	v24 =	vor.u32 v2, v11;
	v25 =	vor.u32 v3, v11;
	v27 =	vor.u32 v4, v11;
	v26 =	vld [tilespmem:s15+$0xFFFFFF30]  }
0xd0: {  	v29 =	vor.u32 v0, v20;
	v30 =	vor.u32 v2, v20;
	v31 =	vor.u32 v3, v20;
	v28 =	vld [tilespmem:s19+$0xFFFFFF80];
	(xrf2) =	vadd.scan.msk.f32 $0xffff, v9  }
0xd1: {  	v33 =	vor.u32 v4, v20;
	v34 =	vor.u32 v0, v19;
	v35 =	vor.u32 v2, v19;
	v32 =	vld [tilespmem:s15+$0xFFFFFF80]  }
0xd2: {  	v36 =	vor.u32 v5, v11;
	v38 =	vor.u32 v3, v19;
	v39 =	vor.u32 v4, v19;
	v37 =	vld [tilespmem:s19+$0xFFFFFF90]  }
0xd3: {  	v40 =	vor.u32 v6, v11;
	v42 =	vor.u32 v5, v20;
	v43 =	vor.u32 v6, v20;
	v41 =	vld [tilespmem:s15+$0xFFFFFF90]  }
0xd4: {  	v45 =	vor.u32 v5, v19;
	v46 =	vor.u32 v6, v19;
	v9 =	vor.u32 v7, v11;
	v44 =	vld [tilespmem:s19+$0xFFFFFFA0]  }
0xd5: {  	v12 =	vor.u32 v8, v11;
	v13 =	vor.u32 v7, v20;
	v10 =	vor.u32 v8, v20;
	v47 =	vld [tilespmem:s15+$0xFFFFFFA0]  }
0xd6: {  	v20 =	vmul.f32 v14, v22;
	v14 =	vor.u32 v7, v19;
	v11 =	vor.u32 v8, v19;
	v22 =	vld [tilespmem:s19+$0xFFFFFFB0]  }
0xd7: {  	v16 =	vmul.f32 v17, v16;
	v15 =	vmul.f32 v15, v18;
	v17 =	vld [tilespmem:s15+$0xFFFFFFB0]  }
0xd8: {  	v18 =	vmul.f32 v26, v23;
	v19 =	vmul.f32 v32, v28;
	v23 =	vld [tilespmem:s19+$0x0]  }
0xd9: {  	v26 =	vmul.f32 v41, v37;
	v28 =	vld [tilespmem:s15+$0x0]  }
0xda: {  	v32 =	vmul.f32 v47, v44;
	v37 =	vld [tilespmem:s19+$0x10];
	v41, _, _ =	vpop (xrf2)  }
0xdb: {  	v44 =	vld [tilespmem:s15+$0x10];
	[tilespmem:s13+$0x1B783] =	vst.msk vm0, v41  }
0xdc: {  	v17 =	vmul.f32 v17, v22;
	v22 =	vld [tilespmem:s19+$0x20]  }
0xdd: {  	v41 =	vld [tilespmem:s15+$0x20]  }
0xde: {  	v23 =	vmul.f32 v28, v23;
	v28 =	vld [tilespmem:s19+$0x30]  }
0xdf: {  	v47 =	vld [tilespmem:s15+$0x30]  }
0xe0: {  	v21 =	vld.idx.msk [tilespmem:v21+s10+$0x0], $0xffff;
	v37 =	vmul.f32 v44, v37  }
0xe1: {  	v24 =	vld.idx.msk [tilespmem:v24+s10+$0x0], $0xffff  }
0xe2: {  	v25 =	vld.idx.msk [tilespmem:v25+s10+$0x0], $0xffff;
	v22 =	vmul.f32 v41, v22  }
0xe3: {  	v27 =	vld.idx.msk [tilespmem:v27+s10+$0x0], $0xffff  }
0xe4: {  	v29 =	vld.idx.msk [tilespmem:v29+s10+$0x0], $0xffff;
	v28 =	vmul.f32 v47, v28  }
0xe5: {  	v30 =	vld.idx.msk [tilespmem:v30+s10+$0x0], $0xffff  }
0xe6: {  	v20 =	vmul.f32 v21, v20;
	v21 =	vld.idx.msk [tilespmem:v31+s10+$0x0], $0xffff  }
0xe7: {  	v16 =	vmul.f32 v24, v16;
	v24 =	vld.idx.msk [tilespmem:v33+s10+$0x0], $0xffff  }
0xe8: {  	v15 =	vmul.f32 v25, v15;
	v25 =	vld.idx.msk [tilespmem:v34+s10+$0x0], $0xffff  }
0xe9: {  	v18 =	vmul.f32 v27, v18;
	v27 =	vld.idx.msk [tilespmem:v35+s10+$0x0], $0xffff  }
0xea: {  	v15 =	vadd.f32 v15, v20;
	v19 =	vmul.f32 v29, v19;
	v20 =	vld.idx.msk [tilespmem:v38+s10+$0x0], $0xffff  }
0xeb: {  	v16 =	vadd.f32 v18, v16;
	v18 =	vmul.f32 v30, v26;
	v26 =	vld.idx.msk [tilespmem:v39+s10+$0x0], $0xffff  }
0xec: {  	v21 =	vmul.f32 v21, v32;
	v29 =	vld [tilespmem:s19+$0xFFFFFF40]  }
0xed: {  	v17 =	vmul.f32 v24, v17;
	v30 =	vld [tilespmem:s15+$0xFFFFFF40]  }
0xee: {  	v19 =	vadd.f32 v21, v19;
	v21 =	vmul.f32 v25, v23;
	v24 =	vld [tilespmem:s19+$0xFFFFFF50]  }
0xef: {  	v25 =	vadd.f32 v17, v18;
	v17 =	vmul.f32 v27, v37;
	v23 =	vld [tilespmem:s15+$0xFFFFFF50]  }
0xf0: {  	v20 =	vmul.f32 v20, v22;
	v18 =	vld [tilespmem:s19+$0xFFFFFFC0]  }
0xf1: {  	v26 =	vmul.f32 v26, v28;
	v22 =	vld [tilespmem:s15+$0xFFFFFFC0]  }
0xf2: {  	v20 =	vadd.f32 v20, v21;
	v27 =	vmul.f32 v30, v29;
	v28 =	vld [tilespmem:s19+$0xFFFFFFD0]  }
0xf3: {  	v26 =	vadd.f32 v26, v17;
	v21 =	vld [tilespmem:s15+$0xFFFFFFD0]  }
0xf4: {  	v17 =	vmul.f32 v23, v24;
	v23 =	vld [tilespmem:s19+$0x40]  }
0xf5: {  	v24 =	vld [tilespmem:s15+$0x40]  }
0xf6: {  	v22 =	vmul.f32 v22, v18;
	v18 =	vld [tilespmem:s19+$0x50]  }
0xf7: {  	v29 =	vld [tilespmem:s15+$0x50]  }
0xf8: {  	v30 =	vld.idx.msk [tilespmem:v36+s10+$0x0], $0xffff;
	v21 =	vmul.f32 v21, v28  }
0xf9: {  	v28 =	vld.idx.msk [tilespmem:v40+s10+$0x0], $0xffff  }
0xfa: {  	v31 =	vld.idx.msk [tilespmem:v42+s10+$0x0], $0xffff;
	v23 =	vmul.f32 v24, v23  }
0xfb: {  	v24 =	vld.idx.msk [tilespmem:v43+s10+$0x0], $0xffff  }
0xfc: {  	v32 =	vld.idx.msk [tilespmem:v45+s10+$0x0], $0xffff;
	v29 =	vmul.f32 v29, v18  }
0xfd: {  	v33 =	vld.idx.msk [tilespmem:v46+s10+$0x0], $0xffff  }
0xfe: {  	v18 =	vmul.f32 v30, v27;
	v27 =	vld [tilespmem:s19+$0xFFFFFF60]  }
0xff: {  	v17 =	vmul.f32 v28, v17;
	v28 =	vld [tilespmem:s15+$0xFFFFFF60]  }
0x100: {  	v18 =	vadd.f32 v18, v15;
	v22 =	vmul.f32 v31, v22;
	v30 =	vld [tilespmem:s19+$0xFFFFFF70]  }
0x101: {  	v15 =	vadd.f32 v17, v16;
	v16 =	vmul.f32 v24, v21;
	v31 =	vld [tilespmem:s15+$0xFFFFFF70]  }
0x102: {  	v17 =	vadd.f32 v22, v19;
	v19 =	vmul.f32 v32, v23;
	v24 =	vld [tilespmem:s19+$0xFFFFFFE0]  }
0x103: {  	v16 =	vadd.f32 v16, v25;
	v22 =	vmul.f32 v33, v29;
	v23 =	vld [tilespmem:s15+$0xFFFFFFE0]  }
0x104: {  	v19 =	vadd.f32 v19, v20;
	v21 =	vmul.f32 v28, v27;
	v25 =	vld [tilespmem:s19+$0xFFFFFFF0]  }
0x105: {  	v20 =	vadd.f32 v22, v26;
	v27 =	vld [tilespmem:s15+$0xFFFFFFF0]  }
0x106: {  	v22 =	vmul.f32 v31, v30;
	v28 =	vld [tilespmem:s19+$0x60]  }
0x107: {  	v29 =	vld [tilespmem:s15+$0x60]  }
0x108: {  	v23 =	vmul.f32 v23, v24;
	v30 =	vld [tilespmem:s19+$0x70]  }
0x109: {  	v31 =	vld [tilespmem:s15+$0x70]  }
0x10a: {  	v24 =	vld.idx.msk [tilespmem:v9+s10+$0x0], $0xffff;
	v9 =	vmul.f32 v27, v25  }
.Ltmp0:
0x10b: {  	v25 =	vld.idx.msk [tilespmem:v12+s10+$0x0], $0xffff;
	(pc) =	sbr.rel @p0 .LBB2_3-.Ltmp0, $4  }
0x10c: {  	v26 =	vld.idx.msk [tilespmem:v13+s10+$0x0], $0xffff;
	v12 =	vmul.f32 v29, v28  }
0x10d: {  	v13 =	vld.idx.msk [tilespmem:v10+s10+$0x0], $0xffff  }
0x10e: {  	v14 =	vld.idx.msk [tilespmem:v14+s10+$0x0], $0xffff;
	v10 =	vmul.f32 v31, v30  }
0x10f: {  	s19 =	sadd.s32 $0x200, s19;
	v11 =	vld.idx.msk [tilespmem:v11+s10+$0x0], $0xffff  }
0x110: {  	_ = 	snop  }
0x111: {  	v21 =	vmul.f32 v24, v21;
	v22 =	vmul.f32 v25, v22  }
0x112: {  	v23 =	vmul.f32 v26, v23  }
0x113: {  	v18 =	vadd.f32 v21, v18;
	v15 =	vadd.f32 v22, v15;
	v9 =	vmul.f32 v13, v9  }
0x114: {  	v13 =	vadd.f32 v23, v17;
	v12 =	vmul.f32 v14, v12;
	v10 =	vmul.f32 v11, v10  }
0x115: {  	v11 =	vadd.f32 v15, v18;
	v9 =	vadd.f32 v9, v16  }
0x116: {  	v12 =	vadd.f32 v12, v19;
	v10 =	vadd.f32 v10, v20  }
0x117: {  	v9 =	vadd.f32 v9, v13  }
0x118: {  	(xrf2) =	vadd.scan.msk.f32 $0xffff, v11;
	v10 =	vadd.f32 v10, v12  }
0x119: {  	(xrf2) =	vadd.scan.msk.f32 $0xffff, v9  }
0x11a: {  	(xrf2) =	vadd.scan.msk.f32 $0xffff, v10;
	_ =	sdelay $0x7  }
0x11b: {  	p0 =	seq.s32 s3, $0x29;
	v9, _, _ =	vpop (xrf2)  }
0x11c: {  	s0 =	smul.u32 @!p0 $0x180, s3;
	[tilespmem:s13+$0x1B780] =	vst.msk vm0, v9;
	v9, _, _ =	vpop (xrf2)  }
0x11d: {  	[tilespmem:s13+$0x1B781] =	vst.msk vm0, v9;
	v9, _, _ =	vpop (xrf2)  }
0x11e: {  	s15 =	simm.s32 @!p0 $0x50;
	s17 =	simm.s32 @!p0 $0xC780;
	[tilespmem:s13+$0x1B782] =	vst.msk vm0, v9;
	s13 =	sadd.s32 @!p0 $0x180, s0  }
0x11f: {  	[tilespmem:s17], [sflag:$0x1] =	stream.indirect.gather @!p0 [hbm4b:s1+s15], $0x80, s13, s15, $0xb8;
	[tilespmem:$0x1DF00] =	vst v63  }
0x120: {  	s0 =	sadd.s32 @!p0 $0x4180, s0;
	s13 =	simm.s32 @!p0 $0x13F80  }
0x121: {  	[tilespmem:s13], [sflag:$0x1] =	stream.indirect.gather @!p0 [hbm4b:s1+s15], $0x80, s0, s15, $0xb8;
	[tilespmem:$0x1DF00] =	vst v63  }
0x122: {  	_ =	swait.ge [sflag:s26], $0x2800  }
0x123: {  	[sflag:s26] =	ssyncset.done $0x0  }
0x124: {  	[sflag:s26] =	ssyncadd.s32 $0xFFFFD800  }
0x125: {  	_ =	swait.ge [sflag:s26], $0x2800  }
0x126: {  	[sflag:s26] =	ssyncset.done $0x0  }
0x127: {  	s22 =	simm.s32 $0xF170;
	[sflag:s26] =	ssyncadd.s32 $0xFFFFD800  }
0x128: {  	v9 =	vld [tilespmem:s22+$0xFFFFFFF0];
	_ =	sdelay $0x4  }
0x129: {  	s15 =	simm.s32 $0x16970;
	[tilespmem:$0x1FE60] =	vst v9  }
0x12a: {  	v9 =	vld [tilespmem:s15+$0xFFFFFFF0];
	_ =	sdelay $0x4  }
0x12b: {  	[tilespmem:$0x1FE70] =	vst v9  }
0x12c: {  	v9 =	vld [tilespmem:s22+$0x0];
	_ =	sdelay $0x4  }
0x12d: {  	[tilespmem:$0x1FE80] =	vst v9  }
0x12e: {  	v9 =	vld [tilespmem:s15+$0x0];
	_ =	sdelay $0x4  }
0x12f: {  	[tilespmem:$0x1FE90] =	vst v9  }
0x130: {  	v13 =	vld [tilespmem:s16+$0x8053]  }
0x131: {  	v42 =	vld [tilespmem:s22+$0xFFFFFFD0]  }
0x132: {  	v38 =	vld [tilespmem:s15+$0xFFFFFFD0]  }
0x133: {  	v41 =	vld [tilespmem:s22+$0xFFFFFFE0]  }
0x134: {  	v40 =	vld [tilespmem:s15+$0xFFFFFFE0]  }
0x135: {  	v37 =	vld [tilespmem:s22+$0xFFFFFF90];
	v13 =	vperm.xlane v13, v1  }
0x136: {  	v19 =	vld [tilespmem:s15+$0xFFFFFF90]  }
0x137: {  	v20 =	vld [tilespmem:s22+$0xFFFFFFA0];
	v13 =	vshll.u32 v13, $0x7  }
0x138: {  	v22 =	vld [tilespmem:s15+$0xFFFFFFA0];
	v21 =	vor.u32 v0, v13;
	v23 =	vor.u32 v2, v13  }
0x139: {  	v24 =	vld [tilespmem:s22+$0xFFFFFFB0];
	v26 =	vor.u32 v3, v13;
	v28 =	vor.u32 v4, v13;
	v30 =	vor.u32 v5, v13  }
0x13a: {  	v25 =	vld [tilespmem:s15+$0xFFFFFFB0];
	v31 =	vor.u32 v6, v13;
	v32 =	vor.u32 v7, v13;
	v13 =	vor.u32 v8, v13  }
0x13b: {  	v27 =	vld [tilespmem:s22+$0xFFFFFFC0]  }
0x13c: {  	v29 =	vld [tilespmem:s15+$0xFFFFFFC0]  }
0x13d: {  	v21 =	vld.idx.msk [tilespmem:v21+s10+$0x0], $0xffff  }
0x13e: {  	v23 =	vld.idx.msk [tilespmem:v23+s10+$0x0], $0xffff  }
0x13f: {  	v9 =	vld.idx.msk [tilespmem:v13+s10+$0x0], $0xffff  }
0x140: {  	v26 =	vld.idx.msk [tilespmem:v26+s10+$0x0], $0xffff  }
0x141: {  	v28 =	vld.idx.msk [tilespmem:v28+s10+$0x0], $0xffff  }
0x142: {  	v30 =	vld.idx.msk [tilespmem:v30+s10+$0x0], $0xffff  }
0x143: {  	v31 =	vld.idx.msk [tilespmem:v31+s10+$0x0], $0xffff  }
0x144: {  	v39 =	vld.idx.msk [tilespmem:v32+s10+$0x0], $0xffff;
	[tilespmem:$0x1FEA0] =	vst v9  }
0x145: {  	v9 =	vld [tilespmem:s22+$0xFFFFFE10];
	_ =	sdelay $0x2  }
0x146: {  	v33 =	vld [tilespmem:s16+$0x8050]  }
0x147: {  	v34 =	vld [tilespmem:s16+$0x8051]  }
0x148: {  	v35 =	vld [tilespmem:s16+$0x8052];
	[tilespmem:$0x1FEB0] =	vst v9  }
0x149: {  	v9 =	vld [tilespmem:s15+$0xFFFFFE10];
	_ =	sdelay $0x4  }
0x14a: {  	[tilespmem:$0x1FEC0] =	vst v9  }
0x14b: {  	v9 =	vld [tilespmem:s22+$0xFFFFFE20];
	_ =	sdelay $0x4  }
0x14c: {  	[tilespmem:$0x1FED0] =	vst v9  }
0x14d: {  	v9 =	vld [tilespmem:s22+$0xFFFFFE30];
	_ =	sdelay $0x4  }
0x14e: {  	v44 =	vld [tilespmem:s15+$0xFFFFFE20];
	[tilespmem:$0x1FEE0] =	vst v9  }
0x14f: {  	v9 =	vld [tilespmem:s15+$0xFFFFFE30];
	_ =	sdelay $0x4  }
0x150: {  	[tilespmem:$0x1FEF0] =	vst v9  }
0x151: {  	v9 =	vld [tilespmem:s22+$0xFFFFFE40];
	_ =	sdelay $0x4  }
0x152: {  	[tilespmem:$0x1FF00] =	vst v9  }
0x153: {  	v9 =	vld [tilespmem:s22+$0xFFFFFE90]  }
0x154: {  	v20 =	vmul.f32 v22, v20  }
0x155: {  	v22 =	vmul.f32 v25, v24;
	v25 =	vmul.f32 v29, v27  }
0x156: {  	v40 =	vmul.f32 v40, v41  }
0x157: {  	v48 =	vld [tilespmem:$0x1FE70];
	v20 =	vmul.f32 v23, v20;
	v25 =	vmul.f32 v28, v25  }
0x158: {  	v43 =	vld [tilespmem:s15+$0xFFFFFE40];
	[tilespmem:$0x1FF10] =	vst v9  }
0x159: {  	v20 =	vadd.f32 v25, v20;
	v25 =	vmul.f32 v31, v40;
	v9 =	vld [tilespmem:s22+$0xFFFFFEB0]  }
0x15a: {  	v41 =	vld [tilespmem:$0x1FE90]  }
0x15b: {  	v20 =	vadd.f32 v25, v20;
	v25 =	vld [tilespmem:$0x1FEA0]  }
0x15c: {  	v45 =	vld [tilespmem:s15+$0xFFFFFE90]  }
0x15d: {  	v46 =	vld [tilespmem:s22+$0xFFFFFEA0]  }
0x15e: {  	v47 =	vld [tilespmem:s15+$0xFFFFFEA0];
	[tilespmem:$0x1FF20] =	vst v9  }
0x15f: {  	v49 =	vld [tilespmem:s15+$0xFFFFFEB0]  }
0x160: {  	v50 =	vld [tilespmem:s22+$0xFFFFFEC0]  }
0x161: {  	v51 =	vld [tilespmem:s15+$0xFFFFFEC0]  }
0x162: {  	v33 =	vperm.xlane v33, v1;
	v52 =	vld [tilespmem:s22+$0xFFFFFF10]  }
0x163: {  	v53 =	vld [tilespmem:s15+$0xFFFFFF10]  }
0x164: {  	v34 =	vperm.xlane v34, v1;
	v33 =	vshll.u32 v33, $0x7;
	v54 =	vld [tilespmem:s22+$0xFFFFFF20]  }
0x165: {  	v55 =	vor.u32 v0, v33;
	v56 =	vld [tilespmem:s15+$0xFFFFFF20]  }
0x166: {  	v34 =	vshll.u32 v34, $0x7;
	v57 =	vor.u32 v2, v33;
	v58 =	vld [tilespmem:s22+$0xFFFFFF30]  }
0x167: {  	v9 =	vor.u32 v2, v34;
	v60 =	vld [tilespmem:s15+$0xFFFFFF30]  }
0x168: {  	v59 =	vor.u32 v3, v33;
	v62 =	vld [tilespmem:s22+$0xFFFFFF40]  }
0x169: {  	v35 =	vperm.xlane v35, v1;
	v61 =	vor.u32 v4, v33;
	v16 =	vld [tilespmem:s15+$0xFFFFFF40]  }
0x16a: {  	v63 =	vor.u32 v0, v34;
	v55 =	vld.idx.msk [tilespmem:v55+s10+$0x0], $0xffff  }
0x16b: {  	v35 =	vshll.u32 v35, $0x7;
	v14 =	vor.u32 v3, v34;
	v57 =	vld.idx.msk [tilespmem:v57+s10+$0x0], $0xffff  }
0x16c: {  	v15 =	vld.idx.msk [tilespmem:v9+s10+$0x0], $0xffff;
	v9 =	vor.u32 v4, v35  }
0x16d: {  	v59 =	vld.idx.msk [tilespmem:v59+s10+$0x0], $0xffff  }
0x16e: {  	v13 =	vor.u32 v4, v34;
	v61 =	vld.idx.msk [tilespmem:v61+s10+$0x0], $0xffff  }
0x16f: {  	v12 =	vor.u32 v0, v35;
	v63 =	vld.idx.msk [tilespmem:v63+s10+$0x0], $0xffff  }
0x170: {  	v11 =	vor.u32 v2, v35;
	v14 =	vld.idx.msk [tilespmem:v14+s10+$0x0], $0xffff  }
0x171: {  	v10 =	vor.u32 v3, v35;
	v17 =	vld.idx.msk [tilespmem:v9+s10+$0x0], $0xffff  }
0x172: {  	v9 =	vld [tilespmem:$0x1FE60]  }
0x173: {  	v19 =	vmul.f32 v19, v37;
	v13 =	vld.idx.msk [tilespmem:v13+s10+$0x0], $0xffff  }
0x174: {  	v38 =	vmul.f32 v38, v42;
	v12 =	vld.idx.msk [tilespmem:v12+s10+$0x0], $0xffff  }
0x175: {  	v19 =	vmul.f32 v21, v19;
	v22 =	vmul.f32 v26, v22;
	v11 =	vld.idx.msk [tilespmem:v11+s10+$0x0], $0xffff  }
0x176: {  	v10 =	vld.idx.msk [tilespmem:v10+s10+$0x0], $0xffff  }
0x177: {  	v27 =	vmul.f32 v30, v38;
	v19 =	vadd.f32 v22, v19;
	v9 =	vmul.f32 v48, v9;
	v48 =	vld [tilespmem:$0x1FE80]  }
0x178: {  	v36 =	vld [tilespmem:s22+$0xFFFFFE50]  }
0x179: {  	v19 =	vadd.f32 v27, v19;
	v18 =	vld [tilespmem:s15+$0xFFFFFE50];
	v9 =	vmul.f32 v39, v9  }
0x17a: {  	v32 =	vld [tilespmem:s22+$0xFFFFFE60]  }
0x17b: {  	v9 =	vadd.f32 v9, v19;
	v19 =	vld [tilespmem:$0x1FEB0]  }
0x17c: {  	v30 =	vmul.f32 v41, v48;
	v48 =	vld [tilespmem:$0x1FEC0]  }
0x17d: {  	v42 =	vld [tilespmem:s15+$0xFFFFFE60]  }
0x17e: {  	v37 =	vld [tilespmem:s22+$0xFFFFFED0]  }
0x17f: {  	v24 =	vld [tilespmem:s15+$0xFFFFFED0]  }
0x180: {  	v21 =	vld [tilespmem:s22+$0xFFFFFEE0]  }
0x181: {  	v19 =	vmul.f32 v48, v19;
	v48 =	vld [tilespmem:$0x1FED0]  }
0x182: {  	v26 =	vld [tilespmem:s15+$0xFFFFFEE0]  }
0x183: {  	v23 =	vor.u32 v5, v33;
	v29 =	vld [tilespmem:s22+$0xFFFFFF50];
	v25 =	vmul.f32 v25, v30  }
0x184: {  	v28 =	vor.u32 v6, v33;
	v38 =	vld [tilespmem:s15+$0xFFFFFF50]  }
0x185: {  	v22 =	vor.u32 v5, v34;
	v20 =	vadd.f32 v25, v20;
	v25 =	vld [tilespmem:$0x1FEE0]  }
0x186: {  	v41 =	vmul.f32 v44, v48;
	v48 =	vld [tilespmem:$0x1FEF0]  }
0x187: {  	v31 =	vor.u32 v6, v34;
	v40 =	vld [tilespmem:s22+$0xFFFFFF60]  }
0x188: {  	v27 =	vor.u32 v5, v35;
	v23 =	vld.idx.msk [tilespmem:v23+s10+$0x0], $0xffff  }
0x189: {  	v28 =	vld.idx.msk [tilespmem:v28+s10+$0x0], $0xffff  }
0x18a: {  	v22 =	vld.idx.msk [tilespmem:v22+s10+$0x0], $0xffff  }
0x18b: {  	v25 =	vmul.f32 v48, v25;
	v48 =	vld [tilespmem:$0x1FF00]  }
0x18c: {  	v31 =	vld.idx.msk [tilespmem:v31+s10+$0x0], $0xffff;
	v9 =	vadd.f32 v20, v9  }
0x18d: {  	v27 =	vld.idx.msk [tilespmem:v27+s10+$0x0], $0xffff;
	v30 =	vor.u32 v6, v35  }
0x18e: {  	v16 =	vmul.f32 v16, v62;
	v62 =	vld [tilespmem:s22+$0xFFFFFF80];
	(xrf2) =	vadd.scan.msk.f32 $0xffff, v9  }
0x18f: {  	v24 =	vmul.f32 v24, v37;
	v21 =	vmul.f32 v26, v21;
	v20 =	vld [tilespmem:$0x1FF20]  }
0x190: {  	v9 =	vmul.f32 v60, v58;
	v43 =	vmul.f32 v43, v48;
	v48 =	vld [tilespmem:$0x1FF10]  }
0x191: {  	v29 =	vmul.f32 v38, v29;
	v22 =	vmul.f32 v22, v24;
	v39 =	vld [tilespmem:s15+$0xFFFFFF60]  }
0x192: {  	v30 =	vld.idx.msk [tilespmem:v30+s10+$0x0], $0xffff;
	v19 =	vmul.f32 v55, v19;
	v9 =	vmul.f32 v10, v9  }
0x193: {  	v55 =	vld [tilespmem:s22+$0xFFFFFEF0];
	v10 =	vmul.f32 v17, v16;
	v17 =	vmul.f32 v18, v36  }
0x194: {  	v58 =	vld [tilespmem:s15+$0xFFFFFF00];
	v16 =	vor.u32 v7, v34;
	v18 =	vmul.f32 v42, v32;
	v20 =	vmul.f32 v49, v20  }
0x195: {  	v49 =	vld [tilespmem:s22+$0xFFFFFE70];
	v41 =	vmul.f32 v57, v41;
	v44 =	vmul.f32 v45, v48  }
0x196: {  	v60 =	vor.u32 v7, v35;
	v57 =	vld [tilespmem:s22+$0xFFFFFF00];
	v45 =	vmul.f32 v47, v46;
	v46 =	vmul.f32 v51, v50  }
0x197: {  	v35 =	vor.u32 v8, v35;
	v14 =	vmul.f32 v14, v20;
	v20 =	vld [tilespmem:s15+$0xFFFFFE80];
	v25 =	vmul.f32 v59, v25  }
0x198: {  	v34 =	vor.u32 v8, v34;
	v59 =	vld [tilespmem:s22+$0xFFFFFF70];
	v26, _, _ =	vpop (xrf2);
	v15 =	vmul.f32 v15, v45;
	v13 =	vmul.f32 v13, v46  }
0x199: {  	[tilespmem:s16+$0x1B7D3] =	vst.msk vm0, v26;
	v26 =	vld.idx.msk [tilespmem:v16+s10+$0x0], $0xffff;
	v43 =	vmul.f32 v61, v43;
	v47 =	vmul.f32 v53, v52  }
0x19a: {  	v48 =	vmul.f32 v56, v54;
	v56 =	vld [tilespmem:s15+$0xFFFFFEF0];
	v13 =	vadd.f32 v13, v15;
	v15 =	vor.u32 v7, v33  }
0x19b: {  	v50 =	vld [tilespmem:s15+$0xFFFFFE70];
	v44 =	vmul.f32 v63, v44;
	v12 =	vmul.f32 v12, v47;
	v33 =	vor.u32 v8, v33  }
0x19c: {  	v19 =	vadd.f32 v25, v19;
	v61 =	vld [tilespmem:s15+$0xFFFFFF70];
	v25 =	vadd.f32 v43, v41;
	v11 =	vmul.f32 v11, v48  }
0x19d: {  	v54 =	vld [tilespmem:s22+$0xFFFFFE80];
	v14 =	vadd.f32 v14, v44;
	v9 =	vadd.f32 v9, v12;
	v12 =	vmul.f32 v23, v17  }
0x19e: {  	v63 =	vld [tilespmem:s15+$0xFFFFFF80];
	v17 =	vmul.f32 v28, v18;
	v10 =	vadd.f32 v10, v11;
	v11 =	vmul.f32 v39, v40  }
0x19f: {  	v23 =	vmul.f32 v56, v55;
	v18 =	vadd.f32 v12, v19;
	v12 =	vmul.f32 v31, v21;
	v24 =	vld.idx.msk [tilespmem:v15+s10+$0x0], $0xffff  }
0x1a0: {  	v11 =	vmul.f32 v30, v11;
	v21 =	vmul.f32 v50, v49;
	v15 =	vadd.f32 v17, v25;
	v25 =	vld.idx.msk [tilespmem:v33+s10+$0x0], $0xffff  }
0x1a1: {  	v16 =	vadd.f32 v12, v13;
	v13 =	vld.idx.msk [tilespmem:v34+s10+$0x0], $0xffff;
	v17 =	vadd.f32 v22, v14;
	v14 =	vmul.f32 v27, v29  }
0x1a2: {  	v12 =	vmul.f32 v61, v59;
	v22 =	vmul.f32 v20, v54;
	v20 =	vadd.f32 v11, v10;
	v11 =	vld.idx.msk [tilespmem:v35+s10+$0x0], $0xffff  }
0x1a3: {  	s17 =	smov.u32 s21;
	s13 =	simm.s32 $0x0;
	s0 =	simm.s32 $0xF370;
	v10 =	vmul.f32 v63, v62;
	v19 =	vadd.f32 v14, v9;
	v9 =	vmul.f32 v58, v57;
	v14 =	vld.idx.msk [tilespmem:v60+s10+$0x0], $0xffff  }
.LBB2_5:
0x1a4: {  	v27 =	vld [tilespmem:s0+$0xFFFFFFF0];
	v21 =	vmul.f32 v24, v21;
	s15 =	sadd.s32 $0x200, s15  }
0x1a5: {  	v22 =	vmul.f32 v25, v22;
	v24 =	vld [tilespmem:s15+$0xFFFFFFF0]  }
0x1a6: {  	s17 =	sadd.s32 $0x10, s17;
	v25 =	vld [tilespmem:s0+$0x0];
	v18 =	vadd.f32 v21, v18;
	v21 =	vmul.f32 v26, v23  }
0x1a7: {  	s19 =	sshra.s32 s17, $0x2;
	v15 =	vadd.f32 v22, v15;
	v9 =	vmul.f32 v13, v9;
	v23 =	vld [tilespmem:s15+$0x0]  }
0x1a8: {  	v12 =	vmul.f32 v14, v12;
	v13 =	vld [tilespmem:s19+$0x8053];
	v17 =	vadd.f32 v21, v17  }
0x1a9: {  	v15 =	vadd.f32 v15, v18;
	v9 =	vadd.f32 v9, v16;
	v10 =	vmul.f32 v11, v10;
	v14 =	vld [tilespmem:s0+$0xFFFFFFD0]  }
0x1aa: {  	s13 =	sadd.s32 $0x4, s13;
	v12 =	vadd.f32 v12, v19;
	v11 =	vld [tilespmem:s15+$0xFFFFFFD0]  }
0x1ab: {  	p1 =	slt.u32 s13, $0x4C;
	v9 =	vadd.f32 v9, v17;
	v10 =	vadd.f32 v10, v20;
	v16 =	vld [tilespmem:s0+$0xFFFFFFE0];
	(xrf2) =	vadd.scan.msk.f32 $0xffff, v15  }
0x1ac: {  	v15 =	vld [tilespmem:s15+$0xFFFFFFE0]  }
0x1ad: {  	v10 =	vadd.f32 v10, v12;
	v13 =	vperm.xlane v13, v1;
	v17 =	vld [tilespmem:s0+$0xFFFFFF90]  }
0x1ae: {  	v12 =	vld [tilespmem:s15+$0xFFFFFF90];
	(xrf2) =	vadd.scan.msk.f32 $0xffff, v9  }
0x1af: {  	v9 =	vshll.u32 v13, $0x7;
	v13 =	vld [tilespmem:s0+$0xFFFFFFA0]  }
0x1b0: {  	v18 =	vor.u32 v0, v9;
	v19 =	vld [tilespmem:s15+$0xFFFFFFA0]  }
0x1b1: {  	v20 =	vor.u32 v2, v9;
	v21 =	vld [tilespmem:s0+$0xFFFFFFB0];
	(xrf2) =	vadd.scan.msk.f32 $0xffff, v10  }
0x1b2: {  	v22 =	vor.u32 v3, v9;
	v10 =	vld [tilespmem:s15+$0xFFFFFFB0]  }
0x1b3: {  	v28 =	vor.u32 v4, v9;
	v26 =	vld [tilespmem:s0+$0xFFFFFFC0]  }
0x1b4: {  	v30 =	vor.u32 v5, v9;
	v29 =	vld [tilespmem:s15+$0xFFFFFFC0]  }
0x1b5: {  	v31 =	vor.u32 v6, v9;
	v18 =	vld.idx.msk [tilespmem:v18+s10+$0x0], $0xffff;
	v32, _, _ =	vpop (xrf2)  }
0x1b6: {  	v33 =	vor.u32 v7, v9;
	v20 =	vld.idx.msk [tilespmem:v20+s10+$0x0], $0xffff;
	[tilespmem:s16+$0x1B7D0] =	vst.msk vm0, v32  }
0x1b7: {  	v9 =	vor.u32 v8, v9;
	v22 =	vld.idx.msk [tilespmem:v22+s10+$0x0], $0xffff  }
0x1b8: {  	v28 =	vld.idx.msk [tilespmem:v28+s10+$0x0], $0xffff;
	v32, _, _ =	vpop (xrf2)  }
0x1b9: {  	v24 =	vmul.f32 v24, v27;
	v30 =	vld.idx.msk [tilespmem:v30+s10+$0x0], $0xffff;
	[tilespmem:s16+$0x1B7D1] =	vst.msk vm0, v32  }
0x1ba: {  	v11 =	vmul.f32 v11, v14;
	v15 =	vmul.f32 v15, v16;
	v14 =	vld.idx.msk [tilespmem:v31+s10+$0x0], $0xffff  }
0x1bb: {  	v12 =	vmul.f32 v12, v17;
	v13 =	vmul.f32 v19, v13;
	v16 =	vld.idx.msk [tilespmem:v33+s10+$0x0], $0xffff;
	v17, _, _ =	vpop (xrf2)  }
0x1bc: {  	v10 =	vmul.f32 v10, v21;
	v19 =	vmul.f32 v29, v26;
	v9 =	vld.idx.msk [tilespmem:v9+s10+$0x0], $0xffff;
	[tilespmem:s16+$0x1B7D2] =	vst.msk vm0, v17;
	s16 =	smov.u32 s19  }
0x1bd: {  	v12 =	vmul.f32 v18, v12;
	v13 =	vmul.f32 v20, v13;
	v17 =	vld [tilespmem:s16+$0x8050]  }
0x1be: {  	v10 =	vmul.f32 v22, v10;
	v19 =	vmul.f32 v28, v19;
	v18 =	vld [tilespmem:s16+$0x8051]  }
0x1bf: {  	v21 =	vmul.f32 v23, v25;
	v11 =	vmul.f32 v30, v11;
	v20 =	vld [tilespmem:s16+$0x8052]  }
0x1c0: {  	v10 =	vadd.f32 v10, v12;
	v12 =	vadd.f32 v19, v13;
	v13 =	vmul.f32 v14, v15;
	v22 =	vld [tilespmem:s0+$0xFFFFFE10]  }
0x1c1: {  	v15 =	vmul.f32 v16, v24;
	v14 =	vld [tilespmem:s15+$0xFFFFFE10]  }
0x1c2: {  	v10 =	vadd.f32 v11, v10;
	v11 =	vadd.f32 v13, v12;
	v9 =	vmul.f32 v9, v21;
	v16 =	vld [tilespmem:s0+$0xFFFFFE20]  }
0x1c3: {  	v12 =	vperm.xlane v17, v1;
	v17 =	vld [tilespmem:s15+$0xFFFFFE20];
	v13 =	vperm.xlane v18, v1  }
0x1c4: {  	v10 =	vadd.f32 v15, v10;
	v9 =	vadd.f32 v9, v11;
	v18 =	vld [tilespmem:s0+$0xFFFFFE30];
	v19 =	vperm.xlane v20, v1  }
0x1c5: {  	v11 =	vshll.u32 v12, $0x7;
	v15 =	vld [tilespmem:s15+$0xFFFFFE30];
	v20 =	vshll.u32 v13, $0x7  }
0x1c6: {  	v21 =	vor.u32 v0, v11;
	v9 =	vadd.f32 v9, v10;
	v23 =	vld [tilespmem:s0+$0xFFFFFE40];
	v19 =	vshll.u32 v19, $0x7  }
0x1c7: {  	v24 =	vor.u32 v2, v11;
	v25 =	vor.u32 v3, v11;
	v27 =	vor.u32 v4, v11;
	v26 =	vld [tilespmem:s15+$0xFFFFFE40]  }
0x1c8: {  	v29 =	vor.u32 v0, v20;
	v30 =	vor.u32 v2, v20;
	v31 =	vor.u32 v3, v20;
	v28 =	vld [tilespmem:s0+$0xFFFFFE90];
	(xrf2) =	vadd.scan.msk.f32 $0xffff, v9  }
0x1c9: {  	v33 =	vor.u32 v4, v20;
	v34 =	vor.u32 v0, v19;
	v35 =	vor.u32 v2, v19;
	v32 =	vld [tilespmem:s15+$0xFFFFFE90]  }
0x1ca: {  	v36 =	vor.u32 v5, v11;
	v38 =	vor.u32 v3, v19;
	v39 =	vor.u32 v4, v19;
	v37 =	vld [tilespmem:s0+$0xFFFFFEA0]  }
0x1cb: {  	v40 =	vor.u32 v6, v11;
	v42 =	vor.u32 v5, v20;
	v43 =	vor.u32 v6, v20;
	v41 =	vld [tilespmem:s15+$0xFFFFFEA0]  }
0x1cc: {  	v45 =	vor.u32 v5, v19;
	v46 =	vor.u32 v6, v19;
	v9 =	vor.u32 v7, v11;
	v44 =	vld [tilespmem:s0+$0xFFFFFEB0]  }
0x1cd: {  	v12 =	vor.u32 v8, v11;
	v13 =	vor.u32 v7, v20;
	v10 =	vor.u32 v8, v20;
	v47 =	vld [tilespmem:s15+$0xFFFFFEB0]  }
0x1ce: {  	v20 =	vmul.f32 v14, v22;
	v14 =	vor.u32 v7, v19;
	v11 =	vor.u32 v8, v19;
	v22 =	vld [tilespmem:s0+$0xFFFFFEC0]  }
0x1cf: {  	v16 =	vmul.f32 v17, v16;
	v15 =	vmul.f32 v15, v18;
	v17 =	vld [tilespmem:s15+$0xFFFFFEC0]  }
0x1d0: {  	v18 =	vmul.f32 v26, v23;
	v19 =	vmul.f32 v32, v28;
	v23 =	vld [tilespmem:s0+$0xFFFFFF10]  }
0x1d1: {  	v26 =	vmul.f32 v41, v37;
	v28 =	vld [tilespmem:s15+$0xFFFFFF10]  }
0x1d2: {  	v32 =	vmul.f32 v47, v44;
	v37 =	vld [tilespmem:s0+$0xFFFFFF20];
	v41, _, _ =	vpop (xrf2)  }
0x1d3: {  	v44 =	vld [tilespmem:s15+$0xFFFFFF20];
	[tilespmem:s16+$0x1B7D3] =	vst.msk vm0, v41  }
0x1d4: {  	v17 =	vmul.f32 v17, v22;
	v22 =	vld [tilespmem:s0+$0xFFFFFF30]  }
0x1d5: {  	v41 =	vld [tilespmem:s15+$0xFFFFFF30]  }
0x1d6: {  	v23 =	vmul.f32 v28, v23;
	v28 =	vld [tilespmem:s0+$0xFFFFFF40]  }
0x1d7: {  	v47 =	vld [tilespmem:s15+$0xFFFFFF40]  }
0x1d8: {  	v21 =	vld.idx.msk [tilespmem:v21+s10+$0x0], $0xffff;
	v37 =	vmul.f32 v44, v37  }
0x1d9: {  	v24 =	vld.idx.msk [tilespmem:v24+s10+$0x0], $0xffff  }
0x1da: {  	v25 =	vld.idx.msk [tilespmem:v25+s10+$0x0], $0xffff;
	v22 =	vmul.f32 v41, v22  }
0x1db: {  	v27 =	vld.idx.msk [tilespmem:v27+s10+$0x0], $0xffff  }
0x1dc: {  	v29 =	vld.idx.msk [tilespmem:v29+s10+$0x0], $0xffff;
	v28 =	vmul.f32 v47, v28  }
0x1dd: {  	v30 =	vld.idx.msk [tilespmem:v30+s10+$0x0], $0xffff  }
0x1de: {  	v20 =	vmul.f32 v21, v20;
	v21 =	vld.idx.msk [tilespmem:v31+s10+$0x0], $0xffff  }
0x1df: {  	v16 =	vmul.f32 v24, v16;
	v24 =	vld.idx.msk [tilespmem:v33+s10+$0x0], $0xffff  }
0x1e0: {  	v15 =	vmul.f32 v25, v15;
	v25 =	vld.idx.msk [tilespmem:v34+s10+$0x0], $0xffff  }
0x1e1: {  	v18 =	vmul.f32 v27, v18;
	v27 =	vld.idx.msk [tilespmem:v35+s10+$0x0], $0xffff  }
0x1e2: {  	v15 =	vadd.f32 v15, v20;
	v19 =	vmul.f32 v29, v19;
	v20 =	vld.idx.msk [tilespmem:v38+s10+$0x0], $0xffff  }
0x1e3: {  	v16 =	vadd.f32 v18, v16;
	v18 =	vmul.f32 v30, v26;
	v26 =	vld.idx.msk [tilespmem:v39+s10+$0x0], $0xffff  }
0x1e4: {  	v21 =	vmul.f32 v21, v32;
	v29 =	vld [tilespmem:s0+$0xFFFFFE50]  }
0x1e5: {  	v17 =	vmul.f32 v24, v17;
	v30 =	vld [tilespmem:s15+$0xFFFFFE50]  }
0x1e6: {  	v19 =	vadd.f32 v21, v19;
	v21 =	vmul.f32 v25, v23;
	v24 =	vld [tilespmem:s0+$0xFFFFFE60]  }
0x1e7: {  	v25 =	vadd.f32 v17, v18;
	v17 =	vmul.f32 v27, v37;
	v23 =	vld [tilespmem:s15+$0xFFFFFE60]  }
0x1e8: {  	v20 =	vmul.f32 v20, v22;
	v18 =	vld [tilespmem:s0+$0xFFFFFED0]  }
0x1e9: {  	v26 =	vmul.f32 v26, v28;
	v22 =	vld [tilespmem:s15+$0xFFFFFED0]  }
0x1ea: {  	v20 =	vadd.f32 v20, v21;
	v27 =	vmul.f32 v30, v29;
	v28 =	vld [tilespmem:s0+$0xFFFFFEE0]  }
0x1eb: {  	v26 =	vadd.f32 v26, v17;
	v21 =	vld [tilespmem:s15+$0xFFFFFEE0]  }
0x1ec: {  	v17 =	vmul.f32 v23, v24;
	v23 =	vld [tilespmem:s0+$0xFFFFFF50]  }
0x1ed: {  	v24 =	vld [tilespmem:s15+$0xFFFFFF50]  }
0x1ee: {  	v22 =	vmul.f32 v22, v18;
	v18 =	vld [tilespmem:s0+$0xFFFFFF60]  }
0x1ef: {  	v29 =	vld [tilespmem:s15+$0xFFFFFF60]  }
0x1f0: {  	v30 =	vld.idx.msk [tilespmem:v36+s10+$0x0], $0xffff;
	v21 =	vmul.f32 v21, v28  }
0x1f1: {  	v28 =	vld.idx.msk [tilespmem:v40+s10+$0x0], $0xffff  }
0x1f2: {  	v31 =	vld.idx.msk [tilespmem:v42+s10+$0x0], $0xffff;
	v23 =	vmul.f32 v24, v23  }
0x1f3: {  	v24 =	vld.idx.msk [tilespmem:v43+s10+$0x0], $0xffff  }
0x1f4: {  	v32 =	vld.idx.msk [tilespmem:v45+s10+$0x0], $0xffff;
	v29 =	vmul.f32 v29, v18  }
0x1f5: {  	v33 =	vld.idx.msk [tilespmem:v46+s10+$0x0], $0xffff  }
0x1f6: {  	v18 =	vmul.f32 v30, v27;
	v27 =	vld [tilespmem:s0+$0xFFFFFE70]  }
0x1f7: {  	v17 =	vmul.f32 v28, v17;
	v28 =	vld [tilespmem:s15+$0xFFFFFE70]  }
0x1f8: {  	v18 =	vadd.f32 v18, v15;
	v22 =	vmul.f32 v31, v22;
	v30 =	vld [tilespmem:s0+$0xFFFFFE80]  }
0x1f9: {  	v15 =	vadd.f32 v17, v16;
	v16 =	vmul.f32 v24, v21;
	v31 =	vld [tilespmem:s15+$0xFFFFFE80]  }
0x1fa: {  	v17 =	vadd.f32 v22, v19;
	v19 =	vmul.f32 v32, v23;
	v24 =	vld [tilespmem:s0+$0xFFFFFEF0]  }
0x1fb: {  	v16 =	vadd.f32 v16, v25;
	v22 =	vmul.f32 v33, v29;
	v23 =	vld [tilespmem:s15+$0xFFFFFEF0]  }
0x1fc: {  	v19 =	vadd.f32 v19, v20;
	v21 =	vmul.f32 v28, v27;
	v25 =	vld [tilespmem:s0+$0xFFFFFF00]  }
0x1fd: {  	v20 =	vadd.f32 v22, v26;
	v27 =	vld [tilespmem:s15+$0xFFFFFF00]  }
0x1fe: {  	v22 =	vmul.f32 v31, v30;
	v28 =	vld [tilespmem:s0+$0xFFFFFF70]  }
0x1ff: {  	v29 =	vld [tilespmem:s15+$0xFFFFFF70]  }
0x200: {  	v23 =	vmul.f32 v23, v24;
	v30 =	vld [tilespmem:s0+$0xFFFFFF80]  }
0x201: {  	v31 =	vld [tilespmem:s15+$0xFFFFFF80]  }
0x202: {  	v24 =	vld.idx.msk [tilespmem:v9+s10+$0x0], $0xffff;
	v9 =	vmul.f32 v27, v25  }
.Ltmp1:
0x203: {  	v25 =	vld.idx.msk [tilespmem:v12+s10+$0x0], $0xffff;
	(pc) =	sbr.rel @p1 .LBB2_5-.Ltmp1, $4  }
0x204: {  	v26 =	vld.idx.msk [tilespmem:v13+s10+$0x0], $0xffff;
	v12 =	vmul.f32 v29, v28  }
0x205: {  	v13 =	vld.idx.msk [tilespmem:v10+s10+$0x0], $0xffff  }
0x206: {  	v14 =	vld.idx.msk [tilespmem:v14+s10+$0x0], $0xffff;
	v10 =	vmul.f32 v31, v30  }
0x207: {  	s0 =	sadd.s32 $0x200, s0;
	v11 =	vld.idx.msk [tilespmem:v11+s10+$0x0], $0xffff  }
0x208: {  	_ = 	snop  }
0x209: {  	v21 =	vmul.f32 v24, v21;
	v22 =	vmul.f32 v25, v22  }
0x20a: {  	v23 =	vmul.f32 v26, v23  }
0x20b: {  	v18 =	vadd.f32 v21, v18;
	v15 =	vadd.f32 v22, v15;
	v9 =	vmul.f32 v13, v9  }
0x20c: {  	v63 =	vadd.f32 v23, v17;
	v12 =	vmul.f32 v14, v12;
	v10 =	vmul.f32 v11, v10  }
0x20d: {  	v11 =	vadd.f32 v15, v18;
	v9 =	vadd.f32 v9, v16  }
0x20e: {  	v12 =	vadd.f32 v12, v19;
	v10 =	vadd.f32 v10, v20  }
0x20f: {  	v9 =	vadd.f32 v9, v63  }
0x210: {  	(xrf2) =	vadd.scan.msk.f32 $0xffff, v11;
	v10 =	vadd.f32 v10, v12  }
0x211: {  	(xrf2) =	vadd.scan.msk.f32 $0xffff, v9  }
0x212: {  	(xrf2) =	vadd.scan.msk.f32 $0xffff, v10;
	_ =	sdelay $0x6  }
.Ltmp2:
0x213: {  	_ = 	snop;
	(pc) =	sbr.rel @p0 .LBB2_10-.Ltmp2, $4  }
0x214: {  	v9, _, _ =	vpop (xrf2)  }
0x215: {  	[tilespmem:s16+$0x1B7D0] =	vst.msk vm0, v9;
	v9, _, _ =	vpop (xrf2)  }
0x216: {  	[tilespmem:s16+$0x1B7D1] =	vst.msk vm0, v9;
	v9, _, _ =	vpop (xrf2)  }
0x217: {  	[tilespmem:s16+$0x1B7D2] =	vst.msk vm0, v9  }
0x218: {  	s13 =	smul.u32 $0x180, s3;
	_ =	sdelay $0x1  }
0x219: {  	s0 =	sadd.s32 $0x200, s13  }
0x21a: {  	[tilespmem:s18], [sflag:$0x2] =	stream.indirect.gather [hbm4b:s1+s14], $0x80, s0, s14, $0xb8;
	[tilespmem:$0x1DF00] =	vst v63  }
0x21b: {  	s19 =	sadd.s32 $0x4200, s13  }
0x21c: {  	[tilespmem:s20], [sflag:$0x2] =	stream.indirect.gather [hbm4b:s1+s14], $0x80, s19, s14, $0xb8;
	[tilespmem:$0x1DF00] =	vst v63  }
0x21d: {  	_ =	swait.ge [sflag:s29], $0x2800  }
0x21e: {  	[sflag:s29] =	ssyncset.done $0x0  }
0x21f: {  	[sflag:s29] =	ssyncadd.s32 $0xFFFFD800  }
0x220: {  	_ =	swait.ge [sflag:s29], $0x2800  }
0x221: {  	[sflag:s29] =	ssyncset.done $0x0  }
0x222: {  	s22 =	simm.s32 $0x0;
	[sflag:s29] =	ssyncadd.s32 $0xFFFFD800  }
0x223: {  	v10 =	vld [tilespmem:s22+$0x11960];
	_ =	sdelay $0x4  }
0x224: {  	v9 =	vld [tilespmem:s2+$0x0];
	[tilespmem:$0x1FD90] =	vst v10  }
0x225: {  	v10 =	vld [tilespmem:s22+$0x19160];
	_ =	sdelay $0x4  }
0x226: {  	[tilespmem:$0x1FDA0] =	vst v10  }
0x227: {  	v10 =	vld [tilespmem:s22+$0x11970];
	_ =	sdelay $0x4  }
0x228: {  	[tilespmem:$0x1FDB0] =	vst v10  }
0x229: {  	v10 =	vld [tilespmem:s22+$0x19170];
	_ =	sdelay $0x4  }
0x22a: {  	[tilespmem:$0x1FDC0] =	vst v10  }
0x22b: {  	v42 =	vld [tilespmem:s22+$0x11940]  }
0x22c: {  	v38 =	vld [tilespmem:s22+$0x19140]  }
0x22d: {  	v41 =	vld [tilespmem:s22+$0x11950]  }
0x22e: {  	v40 =	vld [tilespmem:s22+$0x19150]  }
0x22f: {  	v9 =	vperm.xlane v9, v1;
	v37 =	vld [tilespmem:s22+$0x11900]  }
0x230: {  	v19 =	vld [tilespmem:s22+$0x19100]  }
0x231: {  	v9 =	vshll.u32 v9, $0x7;
	v20 =	vld [tilespmem:s22+$0x11910]  }
0x232: {  	v21 =	vor.u32 v0, v9;
	v23 =	vor.u32 v2, v9;
	v22 =	vld [tilespmem:s22+$0x19110]  }
0x233: {  	v26 =	vor.u32 v3, v9;
	v28 =	vor.u32 v4, v9;
	v30 =	vor.u32 v5, v9;
	v24 =	vld [tilespmem:s22+$0x11920]  }
0x234: {  	v31 =	vor.u32 v6, v9;
	v32 =	vor.u32 v7, v9;
	v9 =	vor.u32 v8, v9;
	v25 =	vld [tilespmem:s22+$0x19120]  }
0x235: {  	v27 =	vld [tilespmem:s22+$0x11930]  }
0x236: {  	v29 =	vld [tilespmem:s22+$0x19130]  }
0x237: {  	v21 =	vld.idx.msk [tilespmem:v21+s10+$0x0], $0xffff  }
0x238: {  	v23 =	vld.idx.msk [tilespmem:v23+s10+$0x0], $0xffff  }
0x239: {  	v9 =	vld.idx.msk [tilespmem:v9+s10+$0x0], $0xffff  }
0x23a: {  	v26 =	vld.idx.msk [tilespmem:v26+s10+$0x0], $0xffff  }
0x23b: {  	v28 =	vld.idx.msk [tilespmem:v28+s10+$0x0], $0xffff  }
0x23c: {  	v30 =	vld.idx.msk [tilespmem:v30+s10+$0x0], $0xffff  }
0x23d: {  	v31 =	vld.idx.msk [tilespmem:v31+s10+$0x0], $0xffff  }
0x23e: {  	v39 =	vld.idx.msk [tilespmem:v32+s10+$0x0], $0xffff;
	[tilespmem:$0x1FDD0] =	vst v9  }
0x23f: {  	v9 =	vld [tilespmem:s22+$0x11780];
	_ =	sdelay $0x2  }
0x240: {  	v33 =	vld [tilespmem:s2+$0xFFFFFFFE]  }
0x241: {  	v34 =	vld [tilespmem:s2+$0xFFFFFFFF]  }
0x242: {  	v35 =	vld [tilespmem:s2+$0xFFFFFFFD];
	[tilespmem:$0x1FDE0] =	vst v9  }
0x243: {  	v9 =	vld [tilespmem:s22+$0x18F80];
	_ =	sdelay $0x4  }
0x244: {  	[tilespmem:$0x1FDF0] =	vst v9  }
0x245: {  	v9 =	vld [tilespmem:s22+$0x11790];
	_ =	sdelay $0x4  }
0x246: {  	[tilespmem:$0x1FE00] =	vst v9  }
0x247: {  	v9 =	vld [tilespmem:s22+$0x117A0];
	_ =	sdelay $0x4  }
0x248: {  	v44 =	vld [tilespmem:s22+$0x18F90];
	[tilespmem:$0x1FE10] =	vst v9  }
0x249: {  	v9 =	vld [tilespmem:s22+$0x18FA0];
	_ =	sdelay $0x4  }
0x24a: {  	[tilespmem:$0x1FE20] =	vst v9  }
0x24b: {  	v9 =	vld [tilespmem:s22+$0x117B0];
	_ =	sdelay $0x4  }
0x24c: {  	[tilespmem:$0x1FE30] =	vst v9  }
0x24d: {  	v9 =	vld [tilespmem:s22+$0x11800]  }
0x24e: {  	v20 =	vmul.f32 v22, v20  }
0x24f: {  	v22 =	vmul.f32 v25, v24;
	v25 =	vmul.f32 v29, v27  }
0x250: {  	v40 =	vmul.f32 v40, v41  }
0x251: {  	v48 =	vld [tilespmem:$0x1FDA0];
	v20 =	vmul.f32 v23, v20;
	v25 =	vmul.f32 v28, v25  }
0x252: {  	v43 =	vld [tilespmem:s22+$0x18FB0];
	[tilespmem:$0x1FE40] =	vst v9  }
0x253: {  	v20 =	vadd.f32 v25, v20;
	v25 =	vmul.f32 v31, v40;
	v9 =	vld [tilespmem:s22+$0x11820]  }
0x254: {  	v41 =	vld [tilespmem:$0x1FDC0]  }
0x255: {  	v20 =	vadd.f32 v25, v20;
	v25 =	vld [tilespmem:$0x1FDD0]  }
0x256: {  	v45 =	vld [tilespmem:s22+$0x19000]  }
0x257: {  	v46 =	vld [tilespmem:s22+$0x11810]  }
0x258: {  	v47 =	vld [tilespmem:s22+$0x19010];
	[tilespmem:$0x1FE50] =	vst v9  }
0x259: {  	v49 =	vld [tilespmem:s22+$0x19020]  }
0x25a: {  	v50 =	vld [tilespmem:s22+$0x11830]  }
0x25b: {  	v51 =	vld [tilespmem:s22+$0x19030]  }
0x25c: {  	v35 =	vperm.xlane v35, v1;
	v52 =	vld [tilespmem:s22+$0x11880]  }
0x25d: {  	v53 =	vld [tilespmem:s22+$0x19080]  }
0x25e: {  	v33 =	vperm.xlane v33, v1;
	v35 =	vshll.u32 v35, $0x7;
	v54 =	vld [tilespmem:s22+$0x11890]  }
0x25f: {  	v55 =	vor.u32 v0, v35;
	v56 =	vld [tilespmem:s22+$0x19090]  }
0x260: {  	v33 =	vshll.u32 v33, $0x7;
	v57 =	vor.u32 v2, v35;
	v58 =	vld [tilespmem:s22+$0x118A0]  }
0x261: {  	v9 =	vor.u32 v2, v33;
	v60 =	vld [tilespmem:s22+$0x190A0]  }
0x262: {  	v59 =	vor.u32 v3, v35;
	v62 =	vld [tilespmem:s22+$0x118B0]  }
0x263: {  	v34 =	vperm.xlane v34, v1;
	v61 =	vor.u32 v4, v35;
	v16 =	vld [tilespmem:s22+$0x190B0]  }
0x264: {  	v63 =	vor.u32 v0, v33;
	v55 =	vld.idx.msk [tilespmem:v55+s10+$0x0], $0xffff  }
0x265: {  	v34 =	vshll.u32 v34, $0x7;
	v14 =	vor.u32 v3, v33;
	v57 =	vld.idx.msk [tilespmem:v57+s10+$0x0], $0xffff  }
0x266: {  	v15 =	vld.idx.msk [tilespmem:v9+s10+$0x0], $0xffff;
	v9 =	vor.u32 v4, v34  }
0x267: {  	v59 =	vld.idx.msk [tilespmem:v59+s10+$0x0], $0xffff  }
0x268: {  	v13 =	vor.u32 v4, v33;
	v61 =	vld.idx.msk [tilespmem:v61+s10+$0x0], $0xffff  }
0x269: {  	v12 =	vor.u32 v0, v34;
	v63 =	vld.idx.msk [tilespmem:v63+s10+$0x0], $0xffff  }
0x26a: {  	v11 =	vor.u32 v2, v34;
	v14 =	vld.idx.msk [tilespmem:v14+s10+$0x0], $0xffff  }
0x26b: {  	v10 =	vor.u32 v3, v34;
	v17 =	vld.idx.msk [tilespmem:v9+s10+$0x0], $0xffff  }
0x26c: {  	v9 =	vld [tilespmem:$0x1FD90]  }
0x26d: {  	v19 =	vmul.f32 v19, v37;
	v13 =	vld.idx.msk [tilespmem:v13+s10+$0x0], $0xffff  }
0x26e: {  	v38 =	vmul.f32 v38, v42;
	v12 =	vld.idx.msk [tilespmem:v12+s10+$0x0], $0xffff  }
0x26f: {  	v19 =	vmul.f32 v21, v19;
	v22 =	vmul.f32 v26, v22;
	v11 =	vld.idx.msk [tilespmem:v11+s10+$0x0], $0xffff  }
0x270: {  	v10 =	vld.idx.msk [tilespmem:v10+s10+$0x0], $0xffff  }
0x271: {  	v27 =	vmul.f32 v30, v38;
	v19 =	vadd.f32 v22, v19;
	v9 =	vmul.f32 v48, v9;
	v48 =	vld [tilespmem:$0x1FDB0]  }
0x272: {  	v36 =	vld [tilespmem:s22+$0x117C0]  }
0x273: {  	v19 =	vadd.f32 v27, v19;
	v18 =	vld [tilespmem:s22+$0x18FC0];
	v9 =	vmul.f32 v39, v9  }
0x274: {  	v32 =	vld [tilespmem:s22+$0x117D0]  }
0x275: {  	v9 =	vadd.f32 v9, v19;
	v19 =	vld [tilespmem:$0x1FDE0]  }
0x276: {  	v30 =	vmul.f32 v41, v48;
	v48 =	vld [tilespmem:$0x1FDF0]  }
0x277: {  	v42 =	vld [tilespmem:s22+$0x18FD0]  }
0x278: {  	v37 =	vld [tilespmem:s22+$0x11840]  }
0x279: {  	v24 =	vld [tilespmem:s22+$0x19040]  }
0x27a: {  	v21 =	vld [tilespmem:s22+$0x11850]  }
0x27b: {  	v19 =	vmul.f32 v48, v19;
	v48 =	vld [tilespmem:$0x1FE00]  }
0x27c: {  	v26 =	vld [tilespmem:s22+$0x19050]  }
0x27d: {  	v23 =	vor.u32 v5, v35;
	v29 =	vld [tilespmem:s22+$0x118C0];
	v25 =	vmul.f32 v25, v30  }
0x27e: {  	v28 =	vor.u32 v6, v35;
	v38 =	vld [tilespmem:s22+$0x190C0]  }
0x27f: {  	v22 =	vor.u32 v5, v33;
	v20 =	vadd.f32 v25, v20;
	v25 =	vld [tilespmem:$0x1FE10]  }
0x280: {  	v41 =	vmul.f32 v44, v48;
	v48 =	vld [tilespmem:$0x1FE20]  }
0x281: {  	v31 =	vor.u32 v6, v33;
	v40 =	vld [tilespmem:s22+$0x118D0]  }
0x282: {  	v27 =	vor.u32 v5, v34;
	v23 =	vld.idx.msk [tilespmem:v23+s10+$0x0], $0xffff  }
0x283: {  	v28 =	vld.idx.msk [tilespmem:v28+s10+$0x0], $0xffff  }
0x284: {  	v22 =	vld.idx.msk [tilespmem:v22+s10+$0x0], $0xffff  }
0x285: {  	v25 =	vmul.f32 v48, v25;
	v48 =	vld [tilespmem:$0x1FE30]  }
0x286: {  	v31 =	vld.idx.msk [tilespmem:v31+s10+$0x0], $0xffff  }
0x287: {  	v27 =	vld.idx.msk [tilespmem:v27+s10+$0x0], $0xffff;
	v56 =	vmul.f32 v56, v54  }
0x288: {  	v16 =	vmul.f32 v16, v62;
	v54 =	vld [tilespmem:s22+$0x11860];
	v30 =	vor.u32 v6, v34;
	v9 =	vadd.f32 v20, v9  }
0x289: {  	v24 =	vmul.f32 v24, v37;
	v21 =	vmul.f32 v26, v21;
	v20 =	vld [tilespmem:$0x1FE50]  }
0x28a: {  	(xrf2) =	vadd.scan.msk.f32 $0xffff, v9;
	v9 =	vmul.f32 v60, v58;
	v43 =	vmul.f32 v43, v48;
	v48 =	vld [tilespmem:$0x1FE40]  }
0x28b: {  	v29 =	vmul.f32 v38, v29;
	v11 =	vmul.f32 v11, v56;
	v56 =	vld [tilespmem:s22+$0x11870]  }
0x28c: {  	v39 =	vld [tilespmem:s22+$0x190D0];
	v19 =	vmul.f32 v55, v19;
	v9 =	vmul.f32 v10, v9  }
0x28d: {  	v30 =	vld.idx.msk [tilespmem:v30+s10+$0x0], $0xffff;
	v10 =	vmul.f32 v17, v16;
	v16 =	vmul.f32 v18, v36  }
0x28e: {  	v55 =	vld [tilespmem:s22+$0x19060];
	v18 =	vmul.f32 v42, v32;
	v20 =	vmul.f32 v49, v20  }
0x28f: {  	v58 =	vld [tilespmem:s22+$0x118E0];
	v41 =	vmul.f32 v57, v41;
	v44 =	vmul.f32 v45, v48  }
0x290: {  	v60 =	vld [tilespmem:s22+$0x190E0];
	v45 =	vmul.f32 v47, v46;
	v46 =	vmul.f32 v51, v50  }
0x291: {  	v49 =	vld [tilespmem:s22+$0x117E0];
	v10 =	vadd.f32 v10, v11;
	v11 =	vmul.f32 v39, v40;
	v14 =	vmul.f32 v14, v20  }
0x292: {  	v17 =	vor.u32 v7, v33;
	v57 =	vld [tilespmem:s22+$0x19070];
	v15 =	vmul.f32 v15, v45;
	v13 =	vmul.f32 v13, v46  }
0x293: {  	v33 =	vor.u32 v8, v33;
	v20 =	vld [tilespmem:s22+$0x18FF0];
	v25 =	vmul.f32 v59, v25;
	v47 =	vmul.f32 v53, v52  }
0x294: {  	v43 =	vmul.f32 v61, v43;
	v61 =	vld [tilespmem:s22+$0x118F0];
	v13 =	vadd.f32 v13, v15;
	v15 =	vor.u32 v7, v35  }
0x295: {  	v11 =	vmul.f32 v30, v11;
	v51 =	vld [tilespmem:s22+$0x117F0];
	v12 =	vmul.f32 v12, v47;
	v35 =	vor.u32 v8, v35  }
0x296: {  	v59 =	vor.u32 v7, v34;
	v34 =	vor.u32 v8, v34;
	v26, _, _ =	vpop (xrf2);
	v19 =	vadd.f32 v25, v19;
	v50 =	vld [tilespmem:s22+$0x18FE0]  }
0x297: {  	[tilespmem:s31+$0x3] =	vst.msk vm0, v26;
	v44 =	vmul.f32 v63, v44;
	v63 =	vld [tilespmem:s22+$0x190F0];
	v62 =	vadd.f32 v9, v12;
	v12 =	vmul.f32 v23, v16  }
0x298: {  	v26 =	vld.idx.msk [tilespmem:v33+s10+$0x0], $0xffff;
	v25 =	vadd.f32 v43, v41;
	v16 =	vmul.f32 v28, v18;
	v18 =	vmul.f32 v22, v24  }
0x299: {  	v14 =	vadd.f32 v14, v44;
	v23 =	vmul.f32 v55, v54;
	v24 =	vmul.f32 v57, v56;
	v9 =	vld.idx.msk [tilespmem:v15+s10+$0x0], $0xffff  }
0x29a: {  	v22 =	vmul.f32 v20, v51;
	v16 =	vadd.f32 v16, v25;
	v15 =	vadd.f32 v12, v19;
	v12 =	vld.idx.msk [tilespmem:v35+s10+$0x0], $0xffff  }
0x29b: {  	v18 =	vadd.f32 v18, v14;
	v14 =	vmul.f32 v27, v29;
	v25 =	vld.idx.msk [tilespmem:v17+s10+$0x0], $0xffff;
	v19 =	vmul.f32 v31, v21  }
0x29c: {  	s16 =	simm.s32 $0x0;
	v20 =	vadd.f32 v11, v10;
	v11 =	vld.idx.msk [tilespmem:v34+s10+$0x0], $0xffff;
	v10 =	vmul.f32 v63, v61;
	v21 =	vmul.f32 v50, v49  }
0x29d: {  	s17 =	sadd.s32 $0x4, s2;
	s15 =	smov.u32 s31;
	s0 =	simm.s32 $0x800;
	v17 =	vadd.f32 v19, v13;
	v19 =	vadd.f32 v14, v62;
	v14 =	vld.idx.msk [tilespmem:v59+s10+$0x0], $0xffff;
	v13 =	vmul.f32 v60, v58  }
.LBB2_8:
0x29e: {  	s19 =	sshra.s32 s0, $0x2;
	v27 =	vld [tilespmem:s17+$0x0];
	v9 =	vmul.f32 v9, v21  }
0x29f: {  	v12 =	vmul.f32 v12, v22;
	v21 =	vld [tilespmem:s19+$0x11960]  }
0x2a0: {  	v22 =	vld [tilespmem:s19+$0x19160];
	v9 =	vadd.f32 v9, v15;
	v15 =	vmul.f32 v25, v23  }
0x2a1: {  	v12 =	vadd.f32 v12, v16;
	v16 =	vmul.f32 v26, v24;
	v23 =	vld [tilespmem:s19+$0x11970]  }
0x2a2: {  	v13 =	vmul.f32 v14, v13;
	v24 =	vld [tilespmem:s19+$0x19170];
	v15 =	vadd.f32 v15, v18  }
0x2a3: {  	v9 =	vadd.f32 v12, v9;
	v12 =	vadd.f32 v16, v17;
	v10 =	vmul.f32 v11, v10;
	v14 =	vld [tilespmem:s19+$0x11940]  }
0x2a4: {  	v13 =	vadd.f32 v13, v19;
	v11 =	vld [tilespmem:s19+$0x19140]  }
0x2a5: {  	s16 =	sadd.s32 $0x4, s16;
	v12 =	vadd.f32 v12, v15;
	v10 =	vadd.f32 v10, v20;
	v16 =	vld [tilespmem:s19+$0x11950];
	(xrf2) =	vadd.scan.msk.f32 $0xffff, v9  }
0x2a6: {  	p0 =	slt.u32 s16, $0x4C;
	v9 =	vld [tilespmem:s19+$0x19150]  }
0x2a7: {  	v15 =	vperm.xlane v27, v1;
	v10 =	vadd.f32 v10, v13;
	v17 =	vld [tilespmem:s19+$0x11900]  }
0x2a8: {  	v13 =	vld [tilespmem:s19+$0x19100];
	(xrf2) =	vadd.scan.msk.f32 $0xffff, v12  }
0x2a9: {  	v12 =	vshll.u32 v15, $0x7;
	v15 =	vld [tilespmem:s19+$0x11910]  }
0x2aa: {  	v18 =	vor.u32 v0, v12;
	v19 =	vld [tilespmem:s19+$0x19110]  }
0x2ab: {  	v20 =	vor.u32 v2, v12;
	v25 =	vld [tilespmem:s19+$0x11920];
	(xrf2) =	vadd.scan.msk.f32 $0xffff, v10  }
0x2ac: {  	v26 =	vor.u32 v3, v12;
	v10 =	vld [tilespmem:s19+$0x19120]  }
0x2ad: {  	v28 =	vor.u32 v4, v12;
	v27 =	vld [tilespmem:s19+$0x11930]  }
0x2ae: {  	v30 =	vor.u32 v5, v12;
	v29 =	vld [tilespmem:s19+$0x19130]  }
0x2af: {  	v31 =	vor.u32 v6, v12;
	v18 =	vld.idx.msk [tilespmem:v18+s10+$0x0], $0xffff;
	v32, _, _ =	vpop (xrf2)  }
0x2b0: {  	v33 =	vor.u32 v7, v12;
	v20 =	vld.idx.msk [tilespmem:v20+s10+$0x0], $0xffff;
	[tilespmem:s15+$0x0] =	vst.msk vm0, v32  }
0x2b1: {  	v12 =	vor.u32 v8, v12;
	v26 =	vld.idx.msk [tilespmem:v26+s10+$0x0], $0xffff  }
0x2b2: {  	v28 =	vld.idx.msk [tilespmem:v28+s10+$0x0], $0xffff;
	v32, _, _ =	vpop (xrf2)  }
0x2b3: {  	v21 =	vmul.f32 v22, v21;
	v30 =	vld.idx.msk [tilespmem:v30+s10+$0x0], $0xffff;
	[tilespmem:s15+$0x1] =	vst.msk vm0, v32  }
0x2b4: {  	v11 =	vmul.f32 v11, v14;
	v9 =	vmul.f32 v9, v16;
	v14 =	vld.idx.msk [tilespmem:v31+s10+$0x0], $0xffff  }
0x2b5: {  	v13 =	vmul.f32 v13, v17;
	v15 =	vmul.f32 v19, v15;
	v16 =	vld.idx.msk [tilespmem:v33+s10+$0x0], $0xffff;
	v17, _, _ =	vpop (xrf2)  }
0x2b6: {  	v10 =	vmul.f32 v10, v25;
	v19 =	vmul.f32 v29, v27;
	v12 =	vld.idx.msk [tilespmem:v12+s10+$0x0], $0xffff;
	[tilespmem:s15+$0x2] =	vst.msk vm0, v17  }
0x2b7: {  	v13 =	vmul.f32 v18, v13;
	v15 =	vmul.f32 v20, v15;
	v17 =	vld [tilespmem:s17+$0xFFFFFFFE]  }
0x2b8: {  	v10 =	vmul.f32 v26, v10;
	v19 =	vmul.f32 v28, v19;
	v18 =	vld [tilespmem:s17+$0xFFFFFFFF]  }
0x2b9: {  	v22 =	vmul.f32 v24, v23;
	v11 =	vmul.f32 v30, v11;
	v20 =	vld [tilespmem:s17+$0xFFFFFFFD]  }
0x2ba: {  	v10 =	vadd.f32 v10, v13;
	v13 =	vadd.f32 v19, v15;
	v9 =	vmul.f32 v14, v9;
	v23 =	vld [tilespmem:s19+$0x11780]  }
0x2bb: {  	v15 =	vmul.f32 v16, v21;
	v14 =	vld [tilespmem:s19+$0x18F80]  }
0x2bc: {  	v10 =	vadd.f32 v11, v10;
	v9 =	vadd.f32 v9, v13;
	v11 =	vmul.f32 v12, v22;
	v16 =	vld [tilespmem:s19+$0x11790]  }
0x2bd: {  	v12 =	vperm.xlane v17, v1;
	v19 =	vld [tilespmem:s19+$0x18F90];
	v13 =	vperm.xlane v18, v1  }
0x2be: {  	v10 =	vadd.f32 v15, v10;
	v9 =	vadd.f32 v11, v9;
	v17 =	vperm.xlane v20, v1;
	v18 =	vld [tilespmem:s19+$0x117A0]  }
0x2bf: {  	v11 =	vshll.u32 v12, $0x7;
	v15 =	vld [tilespmem:s19+$0x18FA0];
	v20 =	vshll.u32 v13, $0x7  }
0x2c0: {  	v21 =	vor.u32 v0, v11;
	v9 =	vadd.f32 v9, v10;
	v12 =	vshll.u32 v17, $0x7;
	v17 =	vld [tilespmem:s19+$0x117B0]  }
0x2c1: {  	v22 =	vor.u32 v0, v12;
	v24 =	vor.u32 v2, v12;
	v25 =	vor.u32 v3, v12;
	v26 =	vld [tilespmem:s19+$0x18FB0]  }
0x2c2: {  	v29 =	vor.u32 v2, v11;
	v30 =	vor.u32 v3, v11;
	v27 =	vor.u32 v4, v12;
	v28 =	vld [tilespmem:s19+$0x11800];
	(xrf2) =	vadd.scan.msk.f32 $0xffff, v9  }
0x2c3: {  	v32 =	vor.u32 v4, v11;
	v33 =	vor.u32 v0, v20;
	v34 =	vor.u32 v2, v20;
	v31 =	vld [tilespmem:s19+$0x19000]  }
0x2c4: {  	v37 =	vor.u32 v3, v20;
	v38 =	vor.u32 v4, v20;
	v35 =	vor.u32 v5, v12;
	v36 =	vld [tilespmem:s19+$0x11810]  }
0x2c5: {  	v41 =	vor.u32 v5, v11;
	v42 =	vor.u32 v6, v11;
	v39 =	vor.u32 v6, v12;
	v40 =	vld [tilespmem:s19+$0x19010]  }
0x2c6: {  	v44 =	vor.u32 v5, v20;
	v45 =	vor.u32 v6, v20;
	v9 =	vor.u32 v7, v12;
	v43 =	vld [tilespmem:s19+$0x11820]  }
0x2c7: {  	v13 =	vor.u32 v7, v11;
	v10 =	vor.u32 v8, v11;
	v12 =	vor.u32 v8, v12;
	v46 =	vld [tilespmem:s19+$0x19020]  }
0x2c8: {  	v23 =	vmul.f32 v14, v23;
	v14 =	vor.u32 v7, v20;
	v11 =	vor.u32 v8, v20;
	v47 =	vld [tilespmem:s19+$0x11830]  }
0x2c9: {  	v16 =	vmul.f32 v19, v16;
	v15 =	vmul.f32 v15, v18;
	v18 =	vld [tilespmem:s19+$0x19030]  }
0x2ca: {  	v17 =	vmul.f32 v26, v17;
	v19 =	vmul.f32 v31, v28;
	v20 =	vld [tilespmem:s19+$0x11880]  }
0x2cb: {  	v26 =	vmul.f32 v40, v36;
	v28 =	vld [tilespmem:s19+$0x19080]  }
0x2cc: {  	s15 =	sadd.s32 $0x4, s15;
	v31 =	vmul.f32 v46, v43;
	v36 =	vld [tilespmem:s19+$0x11890];
	v40, _, _ =	vpop (xrf2)  }
0x2cd: {  	v43 =	vld [tilespmem:s19+$0x19090];
	[tilespmem:s15+$0x3] =	vst.msk vm0, v40  }
0x2ce: {  	v18 =	vmul.f32 v18, v47;
	v40 =	vld [tilespmem:s19+$0x118A0]  }
0x2cf: {  	v46 =	vld [tilespmem:s19+$0x190A0]  }
0x2d0: {  	v20 =	vmul.f32 v28, v20;
	v28 =	vld [tilespmem:s19+$0x118B0]  }
0x2d1: {  	v47 =	vld [tilespmem:s19+$0x190B0]  }
0x2d2: {  	v22 =	vld.idx.msk [tilespmem:v22+s10+$0x0], $0xffff;
	v36 =	vmul.f32 v43, v36  }
0x2d3: {  	v24 =	vld.idx.msk [tilespmem:v24+s10+$0x0], $0xffff  }
0x2d4: {  	v25 =	vld.idx.msk [tilespmem:v25+s10+$0x0], $0xffff;
	v40 =	vmul.f32 v46, v40  }
0x2d5: {  	v27 =	vld.idx.msk [tilespmem:v27+s10+$0x0], $0xffff  }
0x2d6: {  	v21 =	vld.idx.msk [tilespmem:v21+s10+$0x0], $0xffff;
	v28 =	vmul.f32 v47, v28  }
0x2d7: {  	v29 =	vld.idx.msk [tilespmem:v29+s10+$0x0], $0xffff  }
0x2d8: {  	v22 =	vmul.f32 v22, v23;
	v23 =	vld.idx.msk [tilespmem:v30+s10+$0x0], $0xffff  }
0x2d9: {  	v16 =	vmul.f32 v24, v16;
	v24 =	vld.idx.msk [tilespmem:v32+s10+$0x0], $0xffff  }
0x2da: {  	v15 =	vmul.f32 v25, v15;
	v25 =	vld.idx.msk [tilespmem:v33+s10+$0x0], $0xffff  }
0x2db: {  	v17 =	vmul.f32 v27, v17;
	v27 =	vld.idx.msk [tilespmem:v34+s10+$0x0], $0xffff  }
0x2dc: {  	v15 =	vadd.f32 v15, v22;
	v19 =	vmul.f32 v21, v19;
	v21 =	vld.idx.msk [tilespmem:v37+s10+$0x0], $0xffff  }
0x2dd: {  	v16 =	vadd.f32 v17, v16;
	v17 =	vmul.f32 v29, v26;
	v22 =	vld.idx.msk [tilespmem:v38+s10+$0x0], $0xffff  }
0x2de: {  	v23 =	vmul.f32 v23, v31;
	v26 =	vld [tilespmem:s19+$0x117C0]  }
0x2df: {  	v18 =	vmul.f32 v24, v18;
	v29 =	vld [tilespmem:s19+$0x18FC0]  }
0x2e0: {  	v19 =	vadd.f32 v23, v19;
	v20 =	vmul.f32 v25, v20;
	v24 =	vld [tilespmem:s19+$0x117D0]  }
0x2e1: {  	v17 =	vadd.f32 v18, v17;
	v18 =	vmul.f32 v27, v36;
	v23 =	vld [tilespmem:s19+$0x18FD0]  }
0x2e2: {  	v21 =	vmul.f32 v21, v40;
	v25 =	vld [tilespmem:s19+$0x11840]  }
0x2e3: {  	v22 =	vmul.f32 v22, v28;
	v27 =	vld [tilespmem:s19+$0x19040]  }
0x2e4: {  	v20 =	vadd.f32 v21, v20;
	v26 =	vmul.f32 v29, v26;
	v28 =	vld [tilespmem:s19+$0x11850]  }
0x2e5: {  	v22 =	vadd.f32 v22, v18;
	v21 =	vld [tilespmem:s19+$0x19050]  }
0x2e6: {  	v18 =	vmul.f32 v23, v24;
	v23 =	vld [tilespmem:s19+$0x118C0]  }
0x2e7: {  	v24 =	vld [tilespmem:s19+$0x190C0]  }
0x2e8: {  	v25 =	vmul.f32 v27, v25;
	v27 =	vld [tilespmem:s19+$0x118D0]  }
0x2e9: {  	v29 =	vld [tilespmem:s19+$0x190D0]  }
0x2ea: {  	v30 =	vld.idx.msk [tilespmem:v35+s10+$0x0], $0xffff;
	v21 =	vmul.f32 v21, v28  }
0x2eb: {  	v28 =	vld.idx.msk [tilespmem:v39+s10+$0x0], $0xffff  }
0x2ec: {  	v31 =	vld.idx.msk [tilespmem:v41+s10+$0x0], $0xffff;
	v23 =	vmul.f32 v24, v23  }
0x2ed: {  	v24 =	vld.idx.msk [tilespmem:v42+s10+$0x0], $0xffff  }
0x2ee: {  	v32 =	vld.idx.msk [tilespmem:v44+s10+$0x0], $0xffff;
	v27 =	vmul.f32 v29, v27  }
0x2ef: {  	v29 =	vld.idx.msk [tilespmem:v45+s10+$0x0], $0xffff  }
0x2f0: {  	v26 =	vmul.f32 v30, v26;
	v30 =	vld [tilespmem:s19+$0x117E0]  }
0x2f1: {  	v18 =	vmul.f32 v28, v18;
	v28 =	vld [tilespmem:s19+$0x18FE0]  }
0x2f2: {  	v15 =	vadd.f32 v26, v15;
	v25 =	vmul.f32 v31, v25;
	v26 =	vld [tilespmem:s19+$0x117F0]  }
0x2f3: {  	v16 =	vadd.f32 v18, v16;
	v21 =	vmul.f32 v24, v21;
	v31 =	vld [tilespmem:s19+$0x18FF0]  }
0x2f4: {  	v18 =	vadd.f32 v25, v19;
	v19 =	vmul.f32 v32, v23;
	v24 =	vld [tilespmem:s19+$0x11860]  }
0x2f5: {  	v17 =	vadd.f32 v21, v17;
	v25 =	vmul.f32 v29, v27;
	v23 =	vld [tilespmem:s19+$0x19060]  }
0x2f6: {  	v19 =	vadd.f32 v19, v20;
	v21 =	vmul.f32 v28, v30;
	v27 =	vld [tilespmem:s19+$0x11870]  }
0x2f7: {  	v20 =	vadd.f32 v25, v22;
	v28 =	vld [tilespmem:s19+$0x19070]  }
0x2f8: {  	v22 =	vmul.f32 v31, v26;
	v26 =	vld [tilespmem:s19+$0x118E0]  }
0x2f9: {  	v29 =	vld [tilespmem:s19+$0x190E0]  }
0x2fa: {  	v23 =	vmul.f32 v23, v24;
	v30 =	vld [tilespmem:s19+$0x118F0]  }
0x2fb: {  	v31 =	vld [tilespmem:s19+$0x190F0]  }
0x2fc: {  	v9 =	vld.idx.msk [tilespmem:v9+s10+$0x0], $0xffff;
	v24 =	vmul.f32 v28, v27  }
.Ltmp3:
0x2fd: {  	v12 =	vld.idx.msk [tilespmem:v12+s10+$0x0], $0xffff;
	(pc) =	sbr.rel @p0 .LBB2_8-.Ltmp3, $4  }
0x2fe: {  	v25 =	vld.idx.msk [tilespmem:v13+s10+$0x0], $0xffff;
	v13 =	vmul.f32 v29, v26  }
0x2ff: {  	v26 =	vld.idx.msk [tilespmem:v10+s10+$0x0], $0xffff  }
0x300: {  	v14 =	vld.idx.msk [tilespmem:v14+s10+$0x0], $0xffff;
	v10 =	vmul.f32 v31, v30  }
0x301: {  	s0 =	sadd.s32 $0x800, s0;
	s17 =	sadd.s32 $0x4, s17;
	v11 =	vld.idx.msk [tilespmem:v11+s10+$0x0], $0xffff  }
0x302: {  	_ = 	snop  }
0x303: {  	v9 =	vmul.f32 v9, v21;
	v12 =	vmul.f32 v12, v22  }
0x304: {  	v60 =	vmul.f32 v25, v23  }
0x305: {  	v9 =	vadd.f32 v9, v15;
	v12 =	vadd.f32 v12, v16;
	v61 =	vmul.f32 v26, v24  }
0x306: {  	v62 =	vadd.f32 v60, v18;
	v13 =	vmul.f32 v14, v13;
	v10 =	vmul.f32 v11, v10  }
0x307: {  	v9 =	vadd.f32 v12, v9;
	v11 =	vadd.f32 v61, v17  }
0x308: {  	v63 =	vadd.f32 v13, v19;
	v10 =	vadd.f32 v10, v20  }
0x309: {  	v11 =	vadd.f32 v11, v62  }
0x30a: {  	(xrf2) =	vadd.scan.msk.f32 $0xffff, v9;
	v9 =	vadd.f32 v10, v63  }
0x30b: {  	(xrf2) =	vadd.scan.msk.f32 $0xffff, v11  }
0x30c: {  	(xrf2) =	vadd.scan.msk.f32 $0xffff, v9;
	_ =	sdelay $0x7  }
0x30d: {  	v9, _, _ =	vpop (xrf2)  }
0x30e: {  	[tilespmem:s15+$0x0] =	vst.msk vm0, v9;
	v9, _, _ =	vpop (xrf2)  }
0x30f: {  	p0 =	sgt.u32 s3, $0x27;
	[tilespmem:s15+$0x1] =	vst.msk vm0, v9;
	v9, _, _ =	vpop (xrf2)  }
0x310: {  	s0 =	sadd.s32 @!p0 $0x280, s13;
	s16 =	simm.s32 @!p0 $0x11780;
	[tilespmem:s15+$0x2] =	vst.msk vm0, v9;
	s15 =	simm.s32 @!p0 $0x50  }
0x311: {  	[tilespmem:s16], [sflag:$0x3] =	stream.indirect.gather @!p0 [hbm4b:s1+s15], $0x80, s0, s15, $0xb8;
	[tilespmem:$0x1DF00] =	vst v63  }
0x312: {  	s3 =	sadd.s32 $0x1, s3;
	s0 =	sadd.s32 @!p0 $0x4280, s13;
	s13 =	simm.s32 @!p0 $0x18F80  }
0x313: {  	[tilespmem:s13], [sflag:$0x3] =	stream.indirect.gather @!p0 [hbm4b:s1+s15], $0x80, s0, s15, $0xb8;
	[tilespmem:$0x1DF00] =	vst v63  }
0x314: {  	p0 =	sne.s32 s3, $0x2A  }
.Ltmp4:
0x315: {  	_ = 	snop;
	(pc) =	sbr.rel @p0 .LBB2_2-.Ltmp4, $2  }
0x316: {  	_ =	sdelay $0x2  }
0x317: {  	s21 =	sadd.s32 $0x3C0, s21;
	s31 =	sadd.s32 $0xF0, s31;
	s2 =	sadd.s32 $0xF0, s2  }
.LBB2_10:
0x318: {  	s2 =	simm.s32 $0x1B7C0  }
0x319: {  	v9 =	vld [tilespmem:s2+$0xFFFFFFC0]  }
0x31a: {  	v10 =	vld [tilespmem:s2+$0xFFFFFFE0];
	_ =	sdelay $0x2  }
0x31b: {  	v11 =	vld [tilespmem:s2+$0x20]  }
0x31c: {  	v12 =	vld [tilespmem:s2+$0x30];
	v9 =	vsub.f32 $0.0e+00, v9  }
0x31d: {  	v14 =	vld [tilespmem:s2+$0xFFFFFFF0];
	v10 =	vsub.f32 $0.0e+00, v10  }
0x31e: {  	v13 =	vld [tilespmem:s2+$0x10];
	v9 =	vmul.f32 $1.442695020e+00, v9  }
0x31f: {  	v10 =	vmul.f32 $1.442695020e+00, v10  }
0x320: {  	s0 =	simm.s32 $0x1B840;
	v15 =	vld [tilespmem:s2+$0xFFFFFFD0];
	(erf) = vpow2.f32 v9;
	v9 =	vsub.f32 $0.0e+00, v11  }
0x321: {  	v16 =	vld [tilespmem:s0+$0x30];
	v11 =	vsub.f32 $0.0e+00, v12;
	(erf) = vpow2.f32 v10  }
0x322: {  	v14 =	vsub.f32 $0.0e+00, v14;
	v10 =	vld [tilespmem:s2+$0x0];
	v9 =	vmul.f32 $1.442695020e+00, v9  }
0x323: {  	v12 =	vsub.f32 $0.0e+00, v13;
	v13 =	vld [tilespmem:s0+$0xFFFFFFC0];
	v11 =	vmul.f32 $1.442695020e+00, v11  }
0x324: {  	v14 =	vmul.f32 $1.442695020e+00, v14;
	(erf) = vpow2.f32 v9;
	v9 =	vld [tilespmem:s0+$0xFFFFFFE0]  }
0x325: {  	v15 =	vsub.f32 $0.0e+00, v15;
	v12 =	vmul.f32 $1.442695020e+00, v12;
	(erf) = vpow2.f32 v11;
	v11 =	vld [tilespmem:s0+$0x20];
	_ =	sdelay $0x1  }
0x326: {  	v15 =	vmul.f32 $1.442695020e+00, v15;
	v10 =	vsub.f32 $0.0e+00, v10;
	(erf) = vpow2.f32 v12  }
0x327: {  	v12 =	vsub.f32 $0.0e+00, v13;
	(erf) = vpow2.f32 v14  }
0x328: {  	v13 =	vld [tilespmem:s0+$0x10];
	v10 =	vmul.f32 $1.442695020e+00, v10;
	(erf) = vpow2.f32 v15;
	v14 =	vpop (erf);
	v9 =	vsub.f32 $0.0e+00, v9  }
0x329: {  	v18 =	vld [tilespmem:s0+$0x0];
	v16 =	vsub.f32 $0.0e+00, v16;
	v12 =	vmul.f32 $1.442695020e+00, v12;
	v17 =	vpop (erf);
	v11 =	vsub.f32 $0.0e+00, v11  }
0x32a: {  	s3 =	simm.s32 $0x1B8C0;
	v15 =	vld [tilespmem:s0+$0xFFFFFFF0];
	(erf) = vpow2.f32 v10;
	v17 =	vadd.f32 $1.000000000e+00, v17;
	v9 =	vmul.f32 $1.442695020e+00, v9  }
0x32b: {  	v19 =	vld [tilespmem:s3+$0xFFFFFFC0];
	v16 =	vmul.f32 $1.442695020e+00, v16;
	(erf) = vpow2.f32 v12  }
0x32c: {  	v11 =	vmul.f32 $1.442695020e+00, v11;
	(erf) = vrcp.f32 v17  }
0x32d: {  	v10 =	vld [tilespmem:s0+$0xFFFFFFD0];
	v13 =	vsub.f32 $0.0e+00, v13;
	v12 =	vpop (erf);
	(erf) = vpow2.f32 v9  }
0x32e: {  	v12 =	vadd.f32 $1.000000000e+00, v12;
	v9 =	vpop (erf);
	(erf) = vpow2.f32 v11;
	v11 =	vsub.f32 $0.0e+00, v18;
	v18 =	vld [tilespmem:s3+$0xFFFFFFE0]  }
0x32f: {  	v15 =	vsub.f32 $0.0e+00, v15;
	v13 =	vmul.f32 $1.442695020e+00, v13;
	v17 =	vpop (erf);
	(erf) = vpow2.f32 v16  }
0x330: {  	v20 =	vld [tilespmem:s3+$0x30];
	v19 =	vsub.f32 $0.0e+00, v19;
	v14 =	vadd.f32 $1.000000000e+00, v14;
	v16 =	vpop (erf);
	(erf) = vrcp.f32 v12  }
0x331: {  	v12 =	vmul.f32 $1.442695020e+00, v15;
	v15 =	vadd.f32 $1.000000000e+00, v17;
	v17 =	vpop (erf);
	(erf) = vpow2.f32 v13  }
0x332: {  	v10 =	vsub.f32 $0.0e+00, v10;
	v13 =	vadd.f32 $1.000000000e+00, v17;
	v17 =	vld [tilespmem:s3+$0x20];
	(erf) = vrcp.f32 v14  }
0x333: {  	v23 =	vld [tilespmem:s3+$0x0];
	(erf) = vpow2.f32 v12;
	v12 =	vmul.f32 $1.442695020e+00, v11;
	v11 =	vsub.f32 $0.0e+00, v18  }
0x334: {  	v9 =	vadd.f32 $1.000000000e+00, v9;
	v14 =	vadd.f32 $1.000000000e+00, v16;
	v16 =	vpop (erf);
	v18 =	vld [tilespmem:s3+$0xFFFFFFF0]  }
0x335: {  	v21 =	vld [tilespmem:s3+$0x10];
	v22 =	vpop (erf);
	(erf) = vrcp.f32 v13;
	v25 =	vmul.f32 $1.442695020e+00, v11;
	v11 =	vsub.f32 $0.0e+00, v20  }
0x336: {  	v24 =	vld [tilespmem:s3+$0xFFFFFFD0];
	v10 =	vmul.f32 $1.442695020e+00, v10;
	v16 =	vadd.f32 $1.000000000e+00, v16;
	(erf) = vrcp.f32 v15;
	v13 =	vpop (erf)  }
0x337: {  	(erf) = vrcp.f32 v14;
	v14 =	vmul.f32 $1.442695020e+00, v19;
	v20 =	vpop (erf);
	v17 =	vsub.f32 $0.0e+00, v17  }
0x338: {  	(erf) = vpow2.f32 v10;
	v15 =	vmul.f32 $1.442695020e+00, v11;
	v19 =	vpop (erf);
	v10 =	vadd.f32 $1.000000000e+00, v20  }
0x339: {  	(erf) = vrcp.f32 v9;
	v18 =	vsub.f32 $0.0e+00, v18;
	v9 =	vsub.f32 $0.0e+00, v23;
	v11 =	vpop (erf)  }
0x33a: {  	v26 =	vmul.f32 $1.442695020e+00, v17;
	(erf) = vpow2.f32 v12;
	v17 =	vsub.f32 $0.0e+00, v21;
	v20 =	vpop (erf)  }
0x33b: {  	v23 =	vsub.f32 $0.0e+00, v24;
	(erf) = vpow2.f32 v14;
	v14 =	vmul.f32 $1.442695020e+00, v18;
	v21 =	vpop (erf)  }
0x33c: {  	(erf) = vrcp.f32 v10;
	v17 =	vmul.f32 $1.442695020e+00, v17;
	v12 =	vpop (erf)  }
0x33d: {  	[tilespmem:s2+$0xFFFFFFE0] =	vst v13;
	v10 =	vmul.f32 $1.442695020e+00, v23;
	(erf) = vrcp.f32 v16;
	v18 =	vpop (erf)  }
0x33e: {  	[tilespmem:s2+$0x20] =	vst v20;
	v20 =	vadd.f32 $1.000000000e+00, v19;
	v13 =	vadd.f32 $1.000000000e+00, v21;
	(erf) = vpow2.f32 v25;
	v21 =	vpop (erf)  }
0x33f: {  	s13 =	simm.s32 $0x10;
	s15 =	simm.s32 $0x1B940;
	v19 =	vadd.f32 $1.000000000e+00, v22;
	(erf) = vpow2.f32 v26;
	v16 =	vadd.f32 $1.000000000e+00, v18;
	[tilespmem:s2+$0xFFFFFFD0] =	vst v21;
	v18 =	vpop (erf)  }
.LBB2_11:
0x340: {  	v21 =	vld [tilespmem:s15+$0xFFFFFFE0];
	s13 =	sadd.s32 $0x8, s13;
	(erf) = vpow2.f32 v15;
	v22 =	vadd.f32 $1.000000000e+00, v11;
	[tilespmem:s2+$0x10] =	vst v18;
	v11 =	vpop (erf)  }
0x341: {  	v15 =	vld [tilespmem:s15+$0xFFFFFFC0];
	p0 =	slt.u32 s13, $0x268;
	v18 =	vpop (erf);
	(erf) = vrcp.f32 v20  }
0x342: {  	v20 =	vld [tilespmem:s15+$0x30];
	(erf) = vpow2.f32 v17;
	v24 =	vadd.f32 $1.000000000e+00, v18;
	[tilespmem:s2+$0xFFFFFFC0] =	vst v12;
	v12 =	vpop (erf)  }
0x343: {  	v18 =	vld [tilespmem:s15+$0x20];
	(erf) = vrcp.f32 v19;
	v19 =	vpop (erf);
	[tilespmem:s2+$0x30] =	vst v12  }
0x344: {  	v9 =	vmul.f32 $1.442695020e+00, v9;
	v12 =	vld [tilespmem:s15+$0x10];
	v23 =	vpop (erf);
	(erf) = vpow2.f32 v14;
	v19 =	vadd.f32 $1.000000000e+00, v19  }
0x345: {  	v14 =	vsub.f32 $0.0e+00, v21;
	v21 =	vld [tilespmem:s15+$0xFFFFFFF0];
	(erf) = vrcp.f32 v24;
	v17 =	vpop (erf)  }
0x346: {  	v15 =	vsub.f32 $0.0e+00, v15;
	v24 =	vld [tilespmem:s15+$0x0];
	(erf) = vrcp.f32 v13;
	[tilespmem:s2+$0xFFFFFFF0] =	vst v11;
	v11 =	vpop (erf)  }
0x347: {  	v13 =	vld [tilespmem:s15+$0xFFFFFFD0];
	v25 =	vmul.f32 $1.442695020e+00, v14;
	v14 =	vsub.f32 $0.0e+00, v20;
	v20 =	vpop (erf);
	(erf) = vrcp.f32 v16;
	[tilespmem:s2+$0x0] =	vst v11;
	s2 =	smov.u32 s0;
	s0 =	smov.u32 s3;
	s3 =	smov.u32 s15  }
0x348: {  	v27 =	vmul.f32 $1.442695020e+00, v15;
	v18 =	vsub.f32 $0.0e+00, v18;
	(erf) = vpow2.f32 v10;
	v26 =	vpop (erf);
	[tilespmem:s2+$0xFFFFFFE0] =	vst v17  }
0x349: {  	v10 =	vadd.f32 $1.000000000e+00, v20;
	v15 =	vmul.f32 $1.442695020e+00, v14;
	v11 =	vpop (erf);
	(erf) = vrcp.f32 v22  }
0x34a: {  	v14 =	vsub.f32 $0.0e+00, v21;
	v18 =	vmul.f32 $1.442695020e+00, v18;
	(erf) = vpow2.f32 v9;
	v17 =	vpop (erf)  }
.Ltmp5:
0x34b: {  	v20 =	vsub.f32 $0.0e+00, v12;
	v9 =	vsub.f32 $0.0e+00, v24;
	(erf) = vpow2.f32 v27;
	v16 =	vpop (erf);
	[tilespmem:s2+$0x20] =	vst v17;
	(pc) =	sbr.rel @p0 .LBB2_11-.Ltmp5, $4  }
0x34c: {  	v22 =	vsub.f32 $0.0e+00, v13;
	v14 =	vmul.f32 $1.442695020e+00, v14;
	(erf) = vrcp.f32 v10;
	v12 =	vpop (erf)  }
0x34d: {  	v17 =	vmul.f32 $1.442695020e+00, v20;
	v13 =	vadd.f32 $1.000000000e+00, v16;
	v16 =	vpop (erf);
	(erf) = vrcp.f32 v19  }
0x34e: {  	v20 =	vadd.f32 $1.000000000e+00, v26;
	v10 =	vmul.f32 $1.442695020e+00, v22;
	(erf) = vpow2.f32 v25;
	v21 =	vpop (erf)  }
0x34f: {  	s15 =	sadd.s32 $0x80, s15;
	v19 =	vadd.f32 $1.000000000e+00, v23;
	v16 =	vadd.f32 $1.000000000e+00, v16;
	(erf) = vpow2.f32 v18;
	[tilespmem:s2+$0xFFFFFFD0] =	vst v21;
	v18 =	vpop (erf)  }
0x350: {  	(erf) = vpow2.f32 v15;
	v47 =	vpop (erf)  }
0x351: {  	v21 =	vpop (erf);
	(erf) = vrcp.f32 v20  }
0x352: {  	(erf) = vpow2.f32 v17;
	v48 =	vpop (erf)  }
0x353: {  	v49 =	vadd.f32 $1.000000000e+00, v21;
	(erf) = vrcp.f32 v19;
	v50 =	vpop (erf)  }
0x354: {  	v51 =	vpop (erf);
	(erf) = vpow2.f32 v14  }
0x355: {  	(erf) = vrcp.f32 v49;
	v52 =	vpop (erf)  }
0x356: {  	(erf) = vrcp.f32 v13;
	v53 =	vpop (erf)  }
0x357: {  	v54 =	vpop (erf);
	(erf) = vrcp.f32 v16  }
0x358: {  	v11 =	vadd.f32 $1.000000000e+00, v11;
	(erf) = vpow2.f32 v10;
	v10 =	vpop (erf)  }
0x359: {  	v9 =	vmul.f32 $1.442695020e+00, v9;
	v55 =	vpop (erf)  }
0x35a: {  	v22 =	vpop (erf)  }
0x35b: {  	(erf) = vrcp.f32 v11;
	v23 =	vpop (erf)  }
0x35c: {  	(erf) = vpow2.f32 v9;
	v11 =	vpop (erf)  }
0x35d: {  	v20 =	vadd.f32 $1.000000000e+00, v54;
	v9 =	vpop (erf)  }
0x35e: {  	[tilespmem:s2+$0x10] =	vst v18;
	v24 =	vpop (erf)  }
0x35f: {  	[tilespmem:s2+$0xFFFFFFC0] =	vst v12;
	v56 =	vadd.f32 $1.000000000e+00, v50;
	(erf) = vrcp.f32 v20;
	v57 =	vpop (erf)  }
0x360: {  	[tilespmem:s2+$0xFFFFFFF0] =	vst v47;
	v10 =	vadd.f32 $1.000000000e+00, v10;
	v58 =	vpop (erf)  }
0x361: {  	[tilespmem:s2+$0x30] =	vst v48;
	v59 =	vadd.f32 $1.000000000e+00, v51;
	(erf) = vrcp.f32 v56;
	v60 =	vpop (erf)  }
0x362: {  	[tilespmem:s0+$0xFFFFFFE0] =	vst v52;
	(erf) = vrcp.f32 v10;
	v10 =	vadd.f32 $1.000000000e+00, v60  }
0x363: {  	[tilespmem:s2+$0x0] =	vst v53;
	v61 =	vadd.f32 $1.000000000e+00, v23;
	(erf) = vrcp.f32 v59  }
0x364: {  	[tilespmem:s0+$0x20] =	vst v22;
	v9 =	vadd.f32 $1.000000000e+00, v9;
	v62 =	vpop (erf);
	(erf) = vrcp.f32 v10;
	v10 =	vadd.f32 $1.000000000e+00, v55  }
0x365: {  	[tilespmem:s0+$0xFFFFFFC0] =	vst v11;
	v63 =	vpop (erf);
	(erf) = vrcp.f32 v61  }
0x366: {  	[tilespmem:s0+$0xFFFFFFD0] =	vst v24;
	(erf) = vrcp.f32 v9;
	v9 =	vadd.f32 $1.000000000e+00, v63  }
0x367: {  	[tilespmem:s0+$0x10] =	vst v57;
	(erf) = vrcp.f32 v10  }
0x368: {  	[tilespmem:s0+$0xFFFFFFF0] =	vst v58;
	v10 =	vpop (erf);
	(erf) = vrcp.f32 v9  }
0x369: {  	[tilespmem:s0+$0x30] =	vst v62  }
0x36a: {  	[tilespmem:s3+$0xFFFFFFE0] =	vst v10;
	v9 =	vpop (erf)  }
0x36b: {  	[tilespmem:s0+$0x0] =	vst v9;
	v9 =	vpop (erf)  }
0x36c: {  	v10 =	vpop (erf);
	[tilespmem:s3+$0x20] =	vst v9  }
0x36d: {  	v9 =	vpop (erf);
	[tilespmem:s3+$0xFFFFFFC0] =	vst v10  }
0x36e: {  	[tilespmem:s3+$0xFFFFFFD0] =	vst v9;
	v9 =	vpop (erf)  }
0x36f: {  	[tilespmem:s3+$0x10] =	vst v9;
	v9 =	vpop (erf)  }
0x370: {  	v10 =	vpop (erf);
	[tilespmem:s3+$0xFFFFFFF0] =	vst v9  }
0x371: {  	[tilespmem:s3+$0x30] =	vst v10;
	v9 =	vpop (erf)  }
0x372: {  	[tilespmem:s3+$0x0] =	vst v9  }
0x373: {  	v9 =	vld [tilespmem:$0x1DE80];
	_ =	sdelay $0x4  }
0x374: {  	v9 =	vsub.f32 $0.0e+00, v9;
	_ =	sdelay $0x1  }
0x375: {  	v9 =	vmul.f32 $1.442695020e+00, v9;
	_ =	sdelay $0x1  }
0x376: {  	(erf) = vpow2.f32 v9;
	_ =	sdelay $0x8  }
0x377: {  	v9 =	vpop (erf)  }
0x378: {  	v9 =	vadd.f32 $1.000000000e+00, v9;
	_ =	sdelay $0x1  }
0x379: {  	(erf) = vrcp.f32 v9;
	_ =	sdelay $0x7  }
0x37a: {  	s30 =	sadd.s32 $0x1, s30  }
0x37b: {  	p0 =	sne.s32 s30, s9;
	v9 =	vpop (erf)  }
.Ltmp6:
0x37c: {  	[tilespmem:$0x1DE80] =	vst v9;
	(pc) =	sbr.rel @p0 .LBB2_1-.Ltmp6, $4  }
0x37d: {  	[hbm4b:s8+s4] =	stream.linear.scatter [tilespmem:s28], [sflag:$0x4], $0x2710, $0x38;
	[tilespmem:$0x1DF00] =	vst v63  }
0x37e: {  	_ =	swait.ge [sflag:s11], $0x2710  }
0x37f: {  	[sflag:s11] =	ssyncset.done $0x0  }
0x380: {  	[sflag:s11] =	ssyncadd.s32 $0xFFFFD8F0  }
0x381: {  	_ =	sfence.sel $0x180000  }
0x382: {  	[bflag:$0x0] =	sbarrier.arrive $0xFFFF  }
0x383: {  	_ =	strace $0x90000047  }
0x384: {  	s0 =	stileid.u32;
	[bflag:$0x2] =	sbarrier.arrive $0xFFFF  }
0x385: {  	p0 =	sne.s32 s0, $0x0;
	s0 =	rddreg [dreg:$0x4]  }
0x386: {  	s0 =	sadd.s32 @!p0 $0x100000, s0  }
0x387: {  	[sflag:s0] =	ssyncadd.tile.s32 @!p0 $0x1;
	_ =	shalt  }
.Lfunc_end2:
_tile_overlayer_lowered:
.L_overlay_start_2:
0x388: {  	(tag) =	ssettag $0x2  }
0x389: {  	s0 =	rddreg [dreg:$0x0];
	s2 =	stileid.u32  }
0x38a: {  	s1 =	rddreg [dreg:$0x1];
	p0 =	sne.s32 s2, $0x0  }
0x38b: {  	s3 =	rddreg [dreg:$0x2];
	[bflag:$0x3] =	sbarrier.arrive $0xFFFF;
	s2 =	simm.s32 @!p0 $0x1C04  }
0x38c: {  	[timem:s3], [sflag:s2] =	dma.local @!p0 [hbm:s0], s1  }
0x38d: {  	s0 =	simm.s32 @!p0 $0x4  }
0x38e: {  	_ =	swait.ge @!p0 [sflag:s0], s1  }
0x38f: {  	s1 =	ssub.s32 @!p0 $0x0, s1;
	[sflag:s0] =	ssyncset.done @!p0 $0x0  }
0x390: {  	[sflag:s0] =	ssyncadd.s32 @!p0 s1  }
0x391: {  	[bflag:$0x3] =	sbarrier.arrive $0xFFFF  }
0x392: {  	_ =	shalt  }

</sc_bundles>
